<compile_context>
chip_gen: v7x
topology: tpu7x:2x2x1
jax: 0.10.2.dev20260603
libtpu: 0.0.44.dev20260713+nightly
codegen_flags: <defaults>
</compile_context>

<pallas_src>
import functools

import jax
import jax.numpy as jnp
from jax import lax
from jax.experimental import pallas as pl
from jax.experimental.pallas import tpu as pltpu
from jax.experimental.pallas import tpu_sc as plsc

N = 8192
K = 4
TW = 25
R = 128
CS = 128
H = 2
C = H * CS
D_PAD = 32
SENT = 2**30


def _lexmin(da, ia, db, ib):
    lt = (da < db) | ((da == db) & (ia < ib))
    return jnp.where(lt, da, db), jnp.where(lt, ia, ib)


def _lexcx(da, ia, db, ib):
    lt = (da < db) | ((da == db) & (ia < ib))
    return (jnp.where(lt, da, db), jnp.where(lt, ia, ib),
            jnp.where(lt, db, da), jnp.where(lt, ib, ia))


def _merge4(run, new):
    rd, ri = run[:K], run[K:]
    nd, ni = new[:K], new[K:]
    t = [_lexmin(rd[i], ri[i], nd[K - 1 - i], ni[K - 1 - i]) for i in range(K)]
    td = [x[0] for x in t]
    ti = [x[1] for x in t]
    td[0], ti[0], td[2], ti[2] = _lexcx(td[0], ti[0], td[2], ti[2])
    td[1], ti[1], td[3], ti[3] = _lexcx(td[1], ti[1], td[3], ti[3])
    td[0], ti[0], td[1], ti[1] = _lexcx(td[0], ti[0], td[1], ti[1])
    td[2], ti[2], td[3], ti[3] = _lexcx(td[2], ti[2], td[3], ti[3])
    return tuple(td) + tuple(ti)


def _topk_body(bfirsts_ref, blasts_ref, xrow_ref, brow_ref, xcol_ref, bcol_ref,
               cfirst_ref, clast_ref, src_ref):
    inf = jnp.float32(jnp.inf)
    d_init = jnp.full((1, R), inf, jnp.float32)
    i_init = jnp.full((1, R), SENT, jnp.int32)
    cfirst = cfirst_ref[...]
    clast = clast_ref[...]

    def block_body(blk, _):
        r0 = pl.multiple_of(blk * R, R)
        b_first = bfirsts_ref[blk]
        b_last = blasts_ref[blk]
        first_needed = jnp.sum((clast < b_first).astype(jnp.int32))
        end_needed = jnp.sum((cfirst <= b_last).astype(jnp.int32))
        c_base = first_needed * C
        nch = end_needed - first_needed

        xr = xrow_ref[0:1, pl.ds(r0, R)]
        br = brow_ref[0:1, pl.ds(r0, R)]
        row = r0 + lax.broadcasted_iota(jnp.int32, (1, R), 1)
        carry0 = (d_init,) * K + (i_init,) * K

        def chunk_body(t, carry):
            c0 = pl.multiple_of(c_base + t * C, C)
            subs = []
            for h in range(H):
                ch0 = pl.multiple_of(c0 + h * CS, CS)
                xc = xcol_ref[pl.ds(ch0, CS), :]
                bcc = bcol_ref[pl.ds(ch0, CS), :]
                colb = ch0 + lax.broadcasted_iota(jnp.int32, (CS, R), 0)
                valid = (bcc == br) & (colb != row)
                dist = jnp.where(valid, jnp.abs(xc - xr), inf)
                cd, ci = [], []
                for t_ in range(K):
                    m = jnp.min(dist, axis=0, keepdims=True)
                    sel = jnp.where(dist == m, colb, SENT)
                    idx = jnp.min(sel, axis=0, keepdims=True)
                    cd.append(m)
                    ci.append(idx)
                    if t_ < K - 1:
                        dist = jnp.where(colb == idx, inf, dist)
                subs.append(tuple(cd) + tuple(ci))
            while len(subs) > 1:
                subs = [_merge4(subs[i], subs[i + 1])
                        for i in range(0, len(subs), 2)]
            return _merge4(carry, subs[0])

        carry = lax.fori_loop(0, nch, chunk_body, carry0)

        fills = tuple(
            jnp.broadcast_to(
                jnp.where(c_base > j, jnp.int32(j), jnp.int32(SENT)), (1, R))
            for j in range(K))
        carry = _merge4(carry, (d_init,) * K + fills)

        src_ref[:, pl.ds(r0, R)] = jnp.concatenate(carry[K:], axis=0)
        return 0

    lax.fori_loop(0, N // R, block_body, 0)


def _compute_edges(x_pos, batch_ids):
    xrow = x_pos.reshape(1, N)
    brow = batch_ids.reshape(1, N)
    xcol = jnp.broadcast_to(x_pos[:, None], (N, R))
    bcol = jnp.broadcast_to(batch_ids[:, None], (N, R))
    cfirst = batch_ids[0::C].reshape(1, N // C)
    clast = batch_ids[C - 1::C].reshape(1, N // C)
    bfirsts = batch_ids[0::R]
    blasts = batch_ids[R - 1::R]
    vmem = pl.BlockSpec(memory_space=pltpu.MemorySpace.VMEM)
    smem = pl.BlockSpec(memory_space=pltpu.MemorySpace.SMEM)
    return pl.pallas_call(
        _topk_body,
        in_specs=[smem, smem, vmem, vmem, vmem, vmem, vmem, vmem],
        out_specs=[vmem],
        out_shape=[
            jax.ShapeDtypeStruct((K, N), jnp.int32),
        ],
    )(bfirsts, blasts, xrow, brow, xcol, bcol, cfirst, clast)[0]


NC = 2
NS = 16
NW = NC * NS
NE = N * K
B_PER_W = NE // NW
CH = 128
N_CH = B_PER_W // CH


NPW = N // NW


def _gather_messages(u_pad, src_kn, perm1d, dst1d):
    mesh = plsc.VectorSubcoreMesh(core_axis_name="c", subcore_axis_name="s")

    @functools.partial(
        pl.kernel,
        out_type=(
            jax.ShapeDtypeStruct((2, NE), jnp.int32),
            jax.ShapeDtypeStruct((NE, D_PAD), jnp.float32),
        ),
        mesh=mesh,
        compiler_params=pltpu.CompilerParams(use_tc_tiling_on_sc=False,
                                            needs_layout_passes=False),
        scratch_types=[
            pltpu.VMEM((K * NPW,), jnp.int32),
            pltpu.VMEM((K * NPW,), jnp.int32),
            pltpu.VMEM((B_PER_W,), jnp.int32),
            pltpu.VMEM((B_PER_W,), jnp.int32),
            pltpu.VMEM((B_PER_W, D_PAD), jnp.float32),
            pltpu.SemaphoreType.DMA,
        ],
    )
    def _gather_k(table_hbm, src_hbm, perm_hbm, dstc_hbm, eidx_hbm, msg_hbm,
                  stage_v, perm_v, eidx_v, dst_v, rows_v, sem):
        wid = lax.axis_index("s") * NC + lax.axis_index("c")
        base = wid * B_PER_W
        n0 = wid * NPW
        for k in range(K):
            pltpu.sync_copy(src_hbm.at[pl.ds(k * N + n0, NPW)],
                            stage_v.at[pl.ds(k * NPW, NPW)])
        pltpu.sync_copy(perm_hbm, perm_v)
        for g in range(B_PER_W // 16):
            pv = perm_v[pl.ds(16 * g, 16)]
            vals = plsc.load_gather(stage_v, [pv])
            eidx_v[pl.ds(16 * g, 16)] = vals
        for j in range(N_CH):
            pltpu.async_copy(table_hbm.at[eidx_v.at[pl.ds(j * CH, CH)]],
                             rows_v.at[pl.ds(j * CH, CH), :], sem)
        pltpu.sync_copy(dstc_hbm.at[pl.ds(base, B_PER_W)], dst_v)
        pltpu.sync_copy(dst_v, eidx_hbm.at[1, pl.ds(base, B_PER_W)])
        pltpu.sync_copy(eidx_v, eidx_hbm.at[0, pl.ds(base, B_PER_W)])
        for j in range(N_CH):
            pltpu.make_async_copy(table_hbm.at[eidx_v.at[pl.ds(j * CH, CH)]],
                                  rows_v.at[pl.ds(j * CH, CH), :], sem).wait()
        pltpu.sync_copy(rows_v, msg_hbm.at[pl.ds(base, B_PER_W), :])

    return _gather_k(u_pad, src_kn, perm1d, dst1d)


def kernel(x_pos, batch_ids, u):
    src2d = _compute_edges(x_pos, batch_ids)
    u_pad = jnp.pad(u, ((0, 0), (0, D_PAD - TW)))
    e = jnp.arange(B_PER_W, dtype=jnp.int32)
    perm1d = (e % K) * NPW + e // K
    dst1d = jnp.arange(NE, dtype=jnp.int32) // K
    eidx, msg_pad = _gather_messages(u_pad, src2d.reshape(-1), perm1d, dst1d)
    return eidx, msg_pad[:, :TW]

# --- scband reference (transcript-rebuilt; emitter-appended) ---
"""Pipeline reference for scband-graph-creator-36953898615068 (READ-ONLY COPY).

The authoritative reference and input builder live on the scoring server;
editing this copy changes nothing except your own understanding.
"""

import jax, jax.numpy as jnp
import numpy as np

N = 8192
K = 4
TW = 25
B = 64

def setup_inputs(seed: int = 0) -> dict:
    key = jax.random.key(seed)
    k1, k2, k3 = jax.random.split(key, 3)
    # spatial positions of all nodes across the batch (1D PDE grid coords)
    x_pos = jax.random.uniform(k1, (N,), dtype=jnp.float32) * 16.0
    # which trajectory (batch sample) each node belongs to, sorted like PyG batch vector
    batch_ids = jnp.sort(jax.random.randint(k2, (N,), 0, B)).astype(jnp.int32)
    # stacked time-window node features u (tw previous timesteps per node)
    u = jax.random.normal(k3, (N, TW), dtype=jnp.float32)
    return {"x_pos": x_pos, "batch_ids": batch_ids, "u": u}

def reference(x_pos, batch_ids, u):
    # Faithful jax translation of the knn_graph kernel inside GraphCreator.create_graph
    # (WE branch): local_edge_index = knn_graph(x_pos, k=self.n, batch=batch.long(), loop=False)
    n = x_pos.shape[0]
    # pairwise 1D distances between all node positions
    dist = jnp.abs(x_pos[:, None] - x_pos[None, :])
    # mask: only connect nodes within the same batch sample, no self loops
    same_batch = batch_ids[:, None] == batch_ids[None, :]
    self_loop = jnp.eye(n, dtype=bool)
    valid = same_batch & (~self_loop)
    dist = jnp.where(valid, dist, jnp.inf)
    # k nearest neighbors per node (smallest distance -> largest negative distance)
    _, nbr_idx = jax.lax.top_k(-dist, K)  # [N, K]
    src = nbr_idx.reshape(-1)
    dst = jnp.repeat(jnp.arange(n, dtype=src.dtype), K)
    edge_index = jnp.stack([src, dst], axis=0)  # [2, N*K], (source=neighbor, target=node)
    # gather neighbor node features along the edges (message construction on the graph)
    messages = jnp.take(u, src, axis=0)  # [N*K, TW]
    return edge_index, messages

if __name__ == "__main__":
    import jax
    _d = setup_inputs()
    print(jax.jit(kernel)(*tuple(_d.values())))

</pallas_src>

<mosaic_0001>
#map = affine_map<(d0, d1) -> (0, 0)>
#map1 = affine_map<(d0, d1) -> (0)>
module attributes {stable_mosaic.version = 14 : i64} {
  func.func @_gather_k(%arg0: i32, %arg1: i32, %arg2: memref<8192x32xf32, #tpu.memory_space<hbm>>, %arg3: memref<32768xi32, #tpu.memory_space<hbm>>, %arg4: memref<1024xi32, #tpu.memory_space<hbm>>, %arg5: memref<32768xi32, #tpu.memory_space<hbm>>, %arg6: memref<2x32768xi32, #tpu.memory_space<hbm>>, %arg7: memref<32768x32xf32, #tpu.memory_space<hbm>>, %arg8: memref<1024xi32, #tpu.memory_space<vmem>>, %arg9: memref<1024xi32, #tpu.memory_space<vmem>>, %arg10: memref<1024xi32, #tpu.memory_space<vmem>>, %arg11: memref<1024xi32, #tpu.memory_space<vmem>>, %arg12: memref<1024x32xf32, #tpu.memory_space<vmem>>, %arg13: memref<!tpu.dma_semaphore, #tpu.memory_space<semaphore_mem>>) attributes {dimension_semantics = [#tpu.dimension_semantics<core_parallel>, #tpu.dimension_semantics<subcore_parallel>], iteration_bounds = array<i64: 2, 16>, scalar_prefetch = 0 : i64, scratch_operands = 6 : i64, tpu.core_type = #tpu.core_type<sc_vector_subcore>, window_params = [{transform_indices = #map}, {transform_indices = #map1}, {transform_indices = #map1}, {transform_indices = #map1}, {transform_indices = #map}, {transform_indices = #map}]} {
    %mul3A = arith.constant 2 : i32
    %mul3A_0 = arith.muli %arg1, %mul3A : i32
    %add3A = arith.addi %mul3A_0, %arg0 : i32
    %mul3A_1 = arith.constant 1024 : i32
    %mul3A_2 = arith.muli %add3A, %mul3A_1 : i32
    %mul3A_3 = arith.constant 256 : i32
    %mul3A_4 = arith.muli %add3A, %mul3A_3 : i32
    %add3A_5 = arith.constant 0 : i32
    %add3A_6 = arith.addi %add3A_5, %mul3A_4 : i32
    "tpu.region"() ({
      %run_scoped3A_457 = tpu.sem_alloc : memref<!tpu.dma_semaphore, #tpu.memory_space<semaphore_mem>>
      %dma_start3A_458 = arith.constant 0 : i32
      %dma_start3A_459 = tpu.memref_slice %arg8[%dma_start3A_458] : memref<1024xi32, #tpu.memory_space<vmem>> -> memref<256xi32, #tpu.memory_space<vmem>>
      %dma_start3A_460 = tpu.memref_slice %arg3[%add3A_6] : memref<32768xi32, #tpu.memory_space<hbm>> -> memref<256xi32, #tpu.memory_space<hbm>>
      %dma_start3A_461 = arith.constant 0 : i32
      %dma_start3A_462 = tpu.memref_slice %arg8[%dma_start3A_461] : memref<1024xi32, #tpu.memory_space<vmem>> -> memref<256xi32, #tpu.memory_space<vmem>>
      %dma_start3A_463 = tpu.memref_slice %arg3[%add3A_6] : memref<32768xi32, #tpu.memory_space<hbm>> -> memref<256xi32, #tpu.memory_space<hbm>>
      tpu.enqueue_dma source(%dma_start3A_463 : memref<256xi32, #tpu.memory_space<hbm>>) target(%dma_start3A_462 : memref<256xi32, #tpu.memory_space<vmem>>) target_semaphore(%run_scoped3A_457 : memref<!tpu.dma_semaphore, #tpu.memory_space<semaphore_mem>>)
      %dma_wait3A_464 = arith.constant 0 : i32
      %dma_wait3A_465 = tpu.memref_slice %arg8[%dma_wait3A_464] : memref<1024xi32, #tpu.memory_space<vmem>> -> memref<256xi32, #tpu.memory_space<vmem>>
      %dma_wait3A_466 = tpu.memref_slice %arg3[%add3A_6] : memref<32768xi32, #tpu.memory_space<hbm>> -> memref<256xi32, #tpu.memory_space<hbm>>
      %dma_wait3A_467 = arith.constant 0 : i32
      %dma_wait3A_468 = tpu.memref_slice %arg8[%dma_wait3A_467] : memref<1024xi32, #tpu.memory_space<vmem>> -> memref<256xi32, #tpu.memory_space<vmem>>
      %dma_wait3A_469 = tpu.memref_slice %arg3[%add3A_6] : memref<32768xi32, #tpu.memory_space<hbm>> -> memref<256xi32, #tpu.memory_space<hbm>>
      tpu.wait_dma2 semaphore(%run_scoped3A_457 : memref<!tpu.dma_semaphore, #tpu.memory_space<semaphore_mem>>) src(%dma_wait3A_469 : memref<256xi32, #tpu.memory_space<hbm>>) dst(%dma_wait3A_468 : memref<256xi32, #tpu.memory_space<vmem>>)
      tpu.yield
    }) : () -> ()
    %add3A_7 = arith.constant 8192 : i32
    %add3A_8 = arith.addi %add3A_7, %mul3A_4 : i32
    "tpu.region"() ({
      %run_scoped3A_457 = tpu.sem_alloc : memref<!tpu.dma_semaphore, #tpu.memory_space<semaphore_mem>>
      %dma_start3A_458 = arith.constant 256 : i32
      %dma_start3A_459 = tpu.memref_slice %arg8[%dma_start3A_458] : memref<1024xi32, #tpu.memory_space<vmem>> -> memref<256xi32, #tpu.memory_space<vmem>>
      %dma_start3A_460 = tpu.memref_slice %arg3[%add3A_8] : memref<32768xi32, #tpu.memory_space<hbm>> -> memref<256xi32, #tpu.memory_space<hbm>>
      %dma_start3A_461 = arith.constant 256 : i32
      %dma_start3A_462 = tpu.memref_slice %arg8[%dma_start3A_461] : memref<1024xi32, #tpu.memory_space<vmem>> -> memref<256xi32, #tpu.memory_space<vmem>>
      %dma_start3A_463 = tpu.memref_slice %arg3[%add3A_8] : memref<32768xi32, #tpu.memory_space<hbm>> -> memref<256xi32, #tpu.memory_space<hbm>>
      tpu.enqueue_dma source(%dma_start3A_463 : memref<256xi32, #tpu.memory_space<hbm>>) target(%dma_start3A_462 : memref<256xi32, #tpu.memory_space<vmem>>) target_semaphore(%run_scoped3A_457 : memref<!tpu.dma_semaphore, #tpu.memory_space<semaphore_mem>>)
      %dma_wait3A_464 = arith.constant 256 : i32
      %dma_wait3A_465 = tpu.memref_slice %arg8[%dma_wait3A_464] : memref<1024xi32, #tpu.memory_space<vmem>> -> memref<256xi32, #tpu.memory_space<vmem>>
      %dma_wait3A_466 = tpu.memref_slice %arg3[%add3A_8] : memref<32768xi32, #tpu.memory_space<hbm>> -> memref<256xi32, #tpu.memory_space<hbm>>
      %dma_wait3A_467 = arith.constant 256 : i32
      %dma_wait3A_468 = tpu.memref_slice %arg8[%dma_wait3A_467] : memref<1024xi32, #tpu.memory_space<vmem>> -> memref<256xi32, #tpu.memory_space<vmem>>
      %dma_wait3A_469 = tpu.memref_slice %arg3[%add3A_8] : memref<32768xi32, #tpu.memory_space<hbm>> -> memref<256xi32, #tpu.memory_space<hbm>>
      tpu.wait_dma2 semaphore(%run_scoped3A_457 : memref<!tpu.dma_semaphore, #tpu.memory_space<semaphore_mem>>) src(%dma_wait3A_469 : memref<256xi32, #tpu.memory_space<hbm>>) dst(%dma_wait3A_468 : memref<256xi32, #tpu.memory_space<vmem>>)
      tpu.yield
    }) : () -> ()
    %add3A_9 = arith.constant 16384 : i32
    %add3A_10 = arith.addi %add3A_9, %mul3A_4 : i32
    "tpu.region"() ({
      %run_scoped3A_457 = tpu.sem_alloc : memref<!tpu.dma_semaphore, #tpu.memory_space<semaphore_mem>>
      %dma_start3A_458 = arith.constant 512 : i32
      %dma_start3A_459 = tpu.memref_slice %arg8[%dma_start3A_458] : memref<1024xi32, #tpu.memory_space<vmem>> -> memref<256xi32, #tpu.memory_space<vmem>>
      %dma_start3A_460 = tpu.memref_slice %arg3[%add3A_10] : memref<32768xi32, #tpu.memory_space<hbm>> -> memref<256xi32, #tpu.memory_space<hbm>>
      %dma_start3A_461 = arith.constant 512 : i32
      %dma_start3A_462 = tpu.memref_slice %arg8[%dma_start3A_461] : memref<1024xi32, #tpu.memory_space<vmem>> -> memref<256xi32, #tpu.memory_space<vmem>>
      %dma_start3A_463 = tpu.memref_slice %arg3[%add3A_10] : memref<32768xi32, #tpu.memory_space<hbm>> -> memref<256xi32, #tpu.memory_space<hbm>>
      tpu.enqueue_dma source(%dma_start3A_463 : memref<256xi32, #tpu.memory_space<hbm>>) target(%dma_start3A_462 : memref<256xi32, #tpu.memory_space<vmem>>) target_semaphore(%run_scoped3A_457 : memref<!tpu.dma_semaphore, #tpu.memory_space<semaphore_mem>>)
      %dma_wait3A_464 = arith.constant 512 : i32
      %dma_wait3A_465 = tpu.memref_slice %arg8[%dma_wait3A_464] : memref<1024xi32, #tpu.memory_space<vmem>> -> memref<256xi32, #tpu.memory_space<vmem>>
      %dma_wait3A_466 = tpu.memref_slice %arg3[%add3A_10] : memref<32768xi32, #tpu.memory_space<hbm>> -> memref<256xi32, #tpu.memory_space<hbm>>
      %dma_wait3A_467 = arith.constant 512 : i32
      %dma_wait3A_468 = tpu.memref_slice %arg8[%dma_wait3A_467] : memref<1024xi32, #tpu.memory_space<vmem>> -> memref<256xi32, #tpu.memory_space<vmem>>
      %dma_wait3A_469 = tpu.memref_slice %arg3[%add3A_10] : memref<32768xi32, #tpu.memory_space<hbm>> -> memref<256xi32, #tpu.memory_space<hbm>>
      tpu.wait_dma2 semaphore(%run_scoped3A_457 : memref<!tpu.dma_semaphore, #tpu.memory_space<semaphore_mem>>) src(%dma_wait3A_469 : memref<256xi32, #tpu.memory_space<hbm>>) dst(%dma_wait3A_468 : memref<256xi32, #tpu.memory_space<vmem>>)
      tpu.yield
    }) : () -> ()
    %add3A_11 = arith.constant 24576 : i32
    %add3A_12 = arith.addi %add3A_11, %mul3A_4 : i32
    "tpu.region"() ({
      %run_scoped3A_457 = tpu.sem_alloc : memref<!tpu.dma_semaphore, #tpu.memory_space<semaphore_mem>>
      %dma_start3A_458 = arith.constant 768 : i32
      %dma_start3A_459 = tpu.memref_slice %arg8[%dma_start3A_458] : memref<1024xi32, #tpu.memory_space<vmem>> -> memref<256xi32, #tpu.memory_space<vmem>>
      %dma_start3A_460 = tpu.memref_slice %arg3[%add3A_12] : memref<32768xi32, #tpu.memory_space<hbm>> -> memref<256xi32, #tpu.memory_space<hbm>>
      %dma_start3A_461 = arith.constant 768 : i32
      %dma_start3A_462 = tpu.memref_slice %arg8[%dma_start3A_461] : memref<1024xi32, #tpu.memory_space<vmem>> -> memref<256xi32, #tpu.memory_space<vmem>>
      %dma_start3A_463 = tpu.memref_slice %arg3[%add3A_12] : memref<32768xi32, #tpu.memory_space<hbm>> -> memref<256xi32, #tpu.memory_space<hbm>>
      tpu.enqueue_dma source(%dma_start3A_463 : memref<256xi32, #tpu.memory_space<hbm>>) target(%dma_start3A_462 : memref<256xi32, #tpu.memory_space<vmem>>) target_semaphore(%run_scoped3A_457 : memref<!tpu.dma_semaphore, #tpu.memory_space<semaphore_mem>>)
      %dma_wait3A_464 = arith.constant 768 : i32
      %dma_wait3A_465 = tpu.memref_slice %arg8[%dma_wait3A_464] : memref<1024xi32, #tpu.memory_space<vmem>> -> memref<256xi32, #tpu.memory_space<vmem>>
      %dma_wait3A_466 = tpu.memref_slice %arg3[%add3A_12] : memref<32768xi32, #tpu.memory_space<hbm>> -> memref<256xi32, #tpu.memory_space<hbm>>
      %dma_wait3A_467 = arith.constant 768 : i32
      %dma_wait3A_468 = tpu.memref_slice %arg8[%dma_wait3A_467] : memref<1024xi32, #tpu.memory_space<vmem>> -> memref<256xi32, #tpu.memory_space<vmem>>
      %dma_wait3A_469 = tpu.memref_slice %arg3[%add3A_12] : memref<32768xi32, #tpu.memory_space<hbm>> -> memref<256xi32, #tpu.memory_space<hbm>>
      tpu.wait_dma2 semaphore(%run_scoped3A_457 : memref<!tpu.dma_semaphore, #tpu.memory_space<semaphore_mem>>) src(%dma_wait3A_469 : memref<256xi32, #tpu.memory_space<hbm>>) dst(%dma_wait3A_468 : memref<256xi32, #tpu.memory_space<vmem>>)
      tpu.yield
    }) : () -> ()
    "tpu.region"() ({
      %run_scoped3A_457 = tpu.sem_alloc : memref<!tpu.dma_semaphore, #tpu.memory_space<semaphore_mem>>
      tpu.enqueue_dma source(%arg4 : memref<1024xi32, #tpu.memory_space<hbm>>) target(%arg9 : memref<1024xi32, #tpu.memory_space<vmem>>) target_semaphore(%run_scoped3A_457 : memref<!tpu.dma_semaphore, #tpu.memory_space<semaphore_mem>>)
      tpu.wait_dma2 semaphore(%run_scoped3A_457 : memref<!tpu.dma_semaphore, #tpu.memory_space<semaphore_mem>>) src(%arg4 : memref<1024xi32, #tpu.memory_space<hbm>>) dst(%arg9 : memref<1024xi32, #tpu.memory_space<vmem>>)
      tpu.yield
    }) : () -> ()
    %get3A = arith.constant 0 : index
    %get3A_13 = tpu.vector_load %arg9[%get3A] {strides = array<i32>} : memref<1024xi32, #tpu.memory_space<vmem>>, vector<16xi32>,
    %gather3A = tpu.vector_load_idx %arg8[%get3A_13] : memref<1024xi32, #tpu.memory_space<vmem>>[vector<16xi32>], vector<16xi32>,
    %swap3A = arith.constant 0 : index
    %swap3A_14 = tpu.vector_load %arg10[%swap3A] {strides = array<i32>} : memref<1024xi32, #tpu.memory_space<vmem>>, vector<16xi32>,
    tpu.vector_store %arg10[%swap3A], %gather3A {strides = array<i32>} : memref<1024xi32, #tpu.memory_space<vmem>>, vector<16xi32>,
    %get3A_15 = arith.constant 16 : index
    %get3A_16 = tpu.vector_load %arg9[%get3A_15] {strides = array<i32>} : memref<1024xi32, #tpu.memory_space<vmem>>, vector<16xi32>,
    %gather3A_17 = tpu.vector_load_idx %arg8[%get3A_16] : memref<1024xi32, #tpu.memory_space<vmem>>[vector<16xi32>], vector<16xi32>,
    %swap3A_18 = arith.constant 16 : index
    %swap3A_19 = tpu.vector_load %arg10[%swap3A_18] {strides = array<i32>} : memref<1024xi32, #tpu.memory_space<vmem>>, vector<16xi32>,
    tpu.vector_store %arg10[%swap3A_18], %gather3A_17 {strides = array<i32>} : memref<1024xi32, #tpu.memory_space<vmem>>, vector<16xi32>,
    %get3A_20 = arith.constant 32 : index
    %get3A_21 = tpu.vector_load %arg9[%get3A_20] {strides = array<i32>} : memref<1024xi32, #tpu.memory_space<vmem>>, vector<16xi32>,
    %gather3A_22 = tpu.vector_load_idx %arg8[%get3A_21] : memref<1024xi32, #tpu.memory_space<vmem>>[vector<16xi32>], vector<16xi32>,
    %swap3A_23 = arith.constant 32 : index
    %swap3A_24 = tpu.vector_load %arg10[%swap3A_23] {strides = array<i32>} : memref<1024xi32, #tpu.memory_space<vmem>>, vector<16xi32>,
    tpu.vector_store %arg10[%swap3A_23], %gather3A_22 {strides = array<i32>} : memref<1024xi32, #tpu.memory_space<vmem>>, vector<16xi32>,
    %get3A_25 = arith.constant 48 : index
    %get3A_26 = tpu.vector_load %arg9[%get3A_25] {strides = array<i32>} : memref<1024xi32, #tpu.memory_space<vmem>>, vector<16xi32>,
    %gather3A_27 = tpu.vector_load_idx %arg8[%get3A_26] : memref<1024xi32, #tpu.memory_space<vmem>>[vector<16xi32>], vector<16xi32>,
    %swap3A_28 = arith.constant 48 : index
    %swap3A_29 = tpu.vector_load %arg10[%swap3A_28] {strides = array<i32>} : memref<1024xi32, #tpu.memory_space<vmem>>, vector<16xi32>,
    tpu.vector_store %arg10[%swap3A_28], %gather3A_27 {strides = array<i32>} : memref<1024xi32, #tpu.memory_space<vmem>>, vector<16xi32>,
    %get3A_30 = arith.constant 64 : index
    %get3A_31 = tpu.vector_load %arg9[%get3A_30] {strides = array<i32>} : memref<1024xi32, #tpu.memory_space<vmem>>, vector<16xi32>,
    %gather3A_32 = tpu.vector_load_idx %arg8[%get3A_31] : memref<1024xi32, #tpu.memory_space<vmem>>[vector<16xi32>], vector<16xi32>,
    %swap3A_33 = arith.constant 64 : index
    %swap3A_34 = tpu.vector_load %arg10[%swap3A_33] {strides = array<i32>} : memref<1024xi32, #tpu.memory_space<vmem>>, vector<16xi32>,
    tpu.vector_store %arg10[%swap3A_33], %gather3A_32 {strides = array<i32>} : memref<1024xi32, #tpu.memory_space<vmem>>, vector<16xi32>,
    %get3A_35 = arith.constant 80 : index
    %get3A_36 = tpu.vector_load %arg9[%get3A_35] {strides = array<i32>} : memref<1024xi32, #tpu.memory_space<vmem>>, vector<16xi32>,
    %gather3A_37 = tpu.vector_load_idx %arg8[%get3A_36] : memref<1024xi32, #tpu.memory_space<vmem>>[vector<16xi32>], vector<16xi32>,
    %swap3A_38 = arith.constant 80 : index
    %swap3A_39 = tpu.vector_load %arg10[%swap3A_38] {strides = array<i32>} : memref<1024xi32, #tpu.memory_space<vmem>>, vector<16xi32>,
    tpu.vector_store %arg10[%swap3A_38], %gather3A_37 {strides = array<i32>} : memref<1024xi32, #tpu.memory_space<vmem>>, vector<16xi32>,
    %get3A_40 = arith.constant 96 : index
    %get3A_41 = tpu.vector_load %arg9[%get3A_40] {strides = array<i32>} : memref<1024xi32, #tpu.memory_space<vmem>>, vector<16xi32>,
    %gather3A_42 = tpu.vector_load_idx %arg8[%get3A_41] : memref<1024xi32, #tpu.memory_space<vmem>>[vector<16xi32>], vector<16xi32>,
    %swap3A_43 = arith.constant 96 : index
    %swap3A_44 = tpu.vector_load %arg10[%swap3A_43] {strides = array<i32>} : memref<1024xi32, #tpu.memory_space<vmem>>, vector<16xi32>,
    tpu.vector_store %arg10[%swap3A_43], %gather3A_42 {strides = array<i32>} : memref<1024xi32, #tpu.memory_space<vmem>>, vector<16xi32>,
    %get3A_45 = arith.constant 112 : index
    %get3A_46 = tpu.vector_load %arg9[%get3A_45] {strides = array<i32>} : memref<1024xi32, #tpu.memory_space<vmem>>, vector<16xi32>,
    %gather3A_47 = tpu.vector_load_idx %arg8[%get3A_46] : memref<1024xi32, #tpu.memory_space<vmem>>[vector<16xi32>], vector<16xi32>,
    %swap3A_48 = arith.constant 112 : index
    %swap3A_49 = tpu.vector_load %arg10[%swap3A_48] {strides = array<i32>} : memref<1024xi32, #tpu.memory_space<vmem>>, vector<16xi32>,
    tpu.vector_store %arg10[%swap3A_48], %gather3A_47 {strides = array<i32>} : memref<1024xi32, #tpu.memory_space<vmem>>, vector<16xi32>,
    %get3A_50 = arith.constant 128 : index
    %get3A_51 = tpu.vector_load %arg9[%get3A_50] {strides = array<i32>} : memref<1024xi32, #tpu.memory_space<vmem>>, vector<16xi32>,
    %gather3A_52 = tpu.vector_load_idx %arg8[%get3A_51] : memref<1024xi32, #tpu.memory_space<vmem>>[vector<16xi32>], vector<16xi32>,
    %swap3A_53 = arith.constant 128 : index
    %swap3A_54 = tpu.vector_load %arg10[%swap3A_53] {strides = array<i32>} : memref<1024xi32, #tpu.memory_space<vmem>>, vector<16xi32>,
    tpu.vector_store %arg10[%swap3A_53], %gather3A_52 {strides = array<i32>} : memref<1024xi32, #tpu.memory_space<vmem>>, vector<16xi32>,
    %get3A_55 = arith.constant 144 : index
    %get3A_56 = tpu.vector_load %arg9[%get3A_55] {strides = array<i32>} : memref<1024xi32, #tpu.memory_space<vmem>>, vector<16xi32>,
    %gather3A_57 = tpu.vector_load_idx %arg8[%get3A_56] : memref<1024xi32, #tpu.memory_space<vmem>>[vector<16xi32>], vector<16xi32>,
    %swap3A_58 = arith.constant 144 : index
    %swap3A_59 = tpu.vector_load %arg10[%swap3A_58] {strides = array<i32>} : memref<1024xi32, #tpu.memory_space<vmem>>, vector<16xi32>,
    tpu.vector_store %arg10[%swap3A_58], %gather3A_57 {strides = array<i32>} : memref<1024xi32, #tpu.memory_space<vmem>>, vector<16xi32>,
    %get3A_60 = arith.constant 160 : index
    %get3A_61 = tpu.vector_load %arg9[%get3A_60] {strides = array<i32>} : memref<1024xi32, #tpu.memory_space<vmem>>, vector<16xi32>,
    %gather3A_62 = tpu.vector_load_idx %arg8[%get3A_61] : memref<1024xi32, #tpu.memory_space<vmem>>[vector<16xi32>], vector<16xi32>,
    %swap3A_63 = arith.constant 160 : index
    %swap3A_64 = tpu.vector_load %arg10[%swap3A_63] {strides = array<i32>} : memref<1024xi32, #tpu.memory_space<vmem>>, vector<16xi32>,
    tpu.vector_store %arg10[%swap3A_63], %gather3A_62 {strides = array<i32>} : memref<1024xi32, #tpu.memory_space<vmem>>, vector<16xi32>,
    %get3A_65 = arith.constant 176 : index
    %get3A_66 = tpu.vector_load %arg9[%get3A_65] {strides = array<i32>} : memref<1024xi32, #tpu.memory_space<vmem>>, vector<16xi32>,
    %gather3A_67 = tpu.vector_load_idx %arg8[%get3A_66] : memref<1024xi32, #tpu.memory_space<vmem>>[vector<16xi32>], vector<16xi32>,
    %swap3A_68 = arith.constant 176 : index
    %swap3A_69 = tpu.vector_load %arg10[%swap3A_68] {strides = array<i32>} : memref<1024xi32, #tpu.memory_space<vmem>>, vector<16xi32>,
    tpu.vector_store %arg10[%swap3A_68], %gather3A_67 {strides = array<i32>} : memref<1024xi32, #tpu.memory_space<vmem>>, vector<16xi32>,
    %get3A_70 = arith.constant 192 : index
    %get3A_71 = tpu.vector_load %arg9[%get3A_70] {strides = array<i32>} : memref<1024xi32, #tpu.memory_space<vmem>>, vector<16xi32>,
    %gather3A_72 = tpu.vector_load_idx %arg8[%get3A_71] : memref<1024xi32, #tpu.memory_space<vmem>>[vector<16xi32>], vector<16xi32>,
    %swap3A_73 = arith.constant 192 : index
    %swap3A_74 = tpu.vector_load %arg10[%swap3A_73] {strides = array<i32>} : memref<1024xi32, #tpu.memory_space<vmem>>, vector<16xi32>,
    tpu.vector_store %arg10[%swap3A_73], %gather3A_72 {strides = array<i32>} : memref<1024xi32, #tpu.memory_space<vmem>>, vector<16xi32>,
    %get3A_75 = arith.constant 208 : index
    %get3A_76 = tpu.vector_load %arg9[%get3A_75] {strides = array<i32>} : memref<1024xi32, #tpu.memory_space<vmem>>, vector<16xi32>,
    %gather3A_77 = tpu.vector_load_idx %arg8[%get3A_76] : memref<1024xi32, #tpu.memory_space<vmem>>[vector<16xi32>], vector<16xi32>,
    %swap3A_78 = arith.constant 208 : index
    %swap3A_79 = tpu.vector_load %arg10[%swap3A_78] {strides = array<i32>} : memref<1024xi32, #tpu.memory_space<vmem>>, vector<16xi32>,
    tpu.vector_store %arg10[%swap3A_78], %gather3A_77 {strides = array<i32>} : memref<1024xi32, #tpu.memory_space<vmem>>, vector<16xi32>,
    %get3A_80 = arith.constant 224 : index
    %get3A_81 = tpu.vector_load %arg9[%get3A_80] {strides = array<i32>} : memref<1024xi32, #tpu.memory_space<vmem>>, vector<16xi32>,
    %gather3A_82 = tpu.vector_load_idx %arg8[%get3A_81] : memref<1024xi32, #tpu.memory_space<vmem>>[vector<16xi32>], vector<16xi32>,
    %swap3A_83 = arith.constant 224 : index
    %swap3A_84 = tpu.vector_load %arg10[%swap3A_83] {strides = array<i32>} : memref<1024xi32, #tpu.memory_space<vmem>>, vector<16xi32>,
    tpu.vector_store %arg10[%swap3A_83], %gather3A_82 {strides = array<i32>} : memref<1024xi32, #tpu.memory_space<vmem>>, vector<16xi32>,
    %get3A_85 = arith.constant 240 : index
    %get3A_86 = tpu.vector_load %arg9[%get3A_85] {strides = array<i32>} : memref<1024xi32, #tpu.memory_space<vmem>>, vector<16xi32>,
    %gather3A_87 = tpu.vector_load_idx %arg8[%get3A_86] : memref<1024xi32, #tpu.memory_space<vmem>>[vector<16xi32>], vector<16xi32>,
    %swap3A_88 = arith.constant 240 : index
    %swap3A_89 = tpu.vector_load %arg10[%swap3A_88] {strides = array<i32>} : memref<1024xi32, #tpu.memory_space<vmem>>, vector<16xi32>,
    tpu.vector_store %arg10[%swap3A_88], %gather3A_87 {strides = array<i32>} : memref<1024xi32, #tpu.memory_space<vmem>>, vector<16xi32>,
    %get3A_90 = arith.constant 256 : index
    %get3A_91 = tpu.vector_load %arg9[%get3A_90] {strides = array<i32>} : memref<1024xi32, #tpu.memory_space<vmem>>, vector<16xi32>,
    %gather3A_92 = tpu.vector_load_idx %arg8[%get3A_91] : memref<1024xi32, #tpu.memory_space<vmem>>[vector<16xi32>], vector<16xi32>,
    %swap3A_93 = arith.constant 256 : index
    %swap3A_94 = tpu.vector_load %arg10[%swap3A_93] {strides = array<i32>} : memref<1024xi32, #tpu.memory_space<vmem>>, vector<16xi32>,
    tpu.vector_store %arg10[%swap3A_93], %gather3A_92 {strides = array<i32>} : memref<1024xi32, #tpu.memory_space<vmem>>, vector<16xi32>,
    %get3A_95 = arith.constant 272 : index
    %get3A_96 = tpu.vector_load %arg9[%get3A_95] {strides = array<i32>} : memref<1024xi32, #tpu.memory_space<vmem>>, vector<16xi32>,
    %gather3A_97 = tpu.vector_load_idx %arg8[%get3A_96] : memref<1024xi32, #tpu.memory_space<vmem>>[vector<16xi32>], vector<16xi32>,
    %swap3A_98 = arith.constant 272 : index
    %swap3A_99 = tpu.vector_load %arg10[%swap3A_98] {strides = array<i32>} : memref<1024xi32, #tpu.memory_space<vmem>>, vector<16xi32>,
    tpu.vector_store %arg10[%swap3A_98], %gather3A_97 {strides = array<i32>} : memref<1024xi32, #tpu.memory_space<vmem>>, vector<16xi32>,
    %get3A_100 = arith.constant 288 : index
    %get3A_101 = tpu.vector_load %arg9[%get3A_100] {strides = array<i32>} : memref<1024xi32, #tpu.memory_space<vmem>>, vector<16xi32>,
    %gather3A_102 = tpu.vector_load_idx %arg8[%get3A_101] : memref<1024xi32, #tpu.memory_space<vmem>>[vector<16xi32>], vector<16xi32>,
    %swap3A_103 = arith.constant 288 : index
    %swap3A_104 = tpu.vector_load %arg10[%swap3A_103] {strides = array<i32>} : memref<1024xi32, #tpu.memory_space<vmem>>, vector<16xi32>,
    tpu.vector_store %arg10[%swap3A_103], %gather3A_102 {strides = array<i32>} : memref<1024xi32, #tpu.memory_space<vmem>>, vector<16xi32>,
    %get3A_105 = arith.constant 304 : index
    %get3A_106 = tpu.vector_load %arg9[%get3A_105] {strides = array<i32>} : memref<1024xi32, #tpu.memory_space<vmem>>, vector<16xi32>,
    %gather3A_107 = tpu.vector_load_idx %arg8[%get3A_106] : memref<1024xi32, #tpu.memory_space<vmem>>[vector<16xi32>], vector<16xi32>,
    %swap3A_108 = arith.constant 304 : index
    %swap3A_109 = tpu.vector_load %arg10[%swap3A_108] {strides = array<i32>} : memref<1024xi32, #tpu.memory_space<vmem>>, vector<16xi32>,
    tpu.vector_store %arg10[%swap3A_108], %gather3A_107 {strides = array<i32>} : memref<1024xi32, #tpu.memory_space<vmem>>, vector<16xi32>,
    %get3A_110 = arith.constant 320 : index
    %get3A_111 = tpu.vector_load %arg9[%get3A_110] {strides = array<i32>} : memref<1024xi32, #tpu.memory_space<vmem>>, vector<16xi32>,
    %gather3A_112 = tpu.vector_load_idx %arg8[%get3A_111] : memref<1024xi32, #tpu.memory_space<vmem>>[vector<16xi32>], vector<16xi32>,
    %swap3A_113 = arith.constant 320 : index
    %swap3A_114 = tpu.vector_load %arg10[%swap3A_113] {strides = array<i32>} : memref<1024xi32, #tpu.memory_space<vmem>>, vector<16xi32>,
    tpu.vector_store %arg10[%swap3A_113], %gather3A_112 {strides = array<i32>} : memref<1024xi32, #tpu.memory_space<vmem>>, vector<16xi32>,
    %get3A_115 = arith.constant 336 : index
    %get3A_116 = tpu.vector_load %arg9[%get3A_115] {strides = array<i32>} : memref<1024xi32, #tpu.memory_space<vmem>>, vector<16xi32>,
    %gather3A_117 = tpu.vector_load_idx %arg8[%get3A_116] : memref<1024xi32, #tpu.memory_space<vmem>>[vector<16xi32>], vector<16xi32>,
    %swap3A_118 = arith.constant 336 : index
    %swap3A_119 = tpu.vector_load %arg10[%swap3A_118] {strides = array<i32>} : memref<1024xi32, #tpu.memory_space<vmem>>, vector<16xi32>,
    tpu.vector_store %arg10[%swap3A_118], %gather3A_117 {strides = array<i32>} : memref<1024xi32, #tpu.memory_space<vmem>>, vector<16xi32>,
    %get3A_120 = arith.constant 352 : index
    %get3A_121 = tpu.vector_load %arg9[%get3A_120] {strides = array<i32>} : memref<1024xi32, #tpu.memory_space<vmem>>, vector<16xi32>,
    %gather3A_122 = tpu.vector_load_idx %arg8[%get3A_121] : memref<1024xi32, #tpu.memory_space<vmem>>[vector<16xi32>], vector<16xi32>,
    %swap3A_123 = arith.constant 352 : index
    %swap3A_124 = tpu.vector_load %arg10[%swap3A_123] {strides = array<i32>} : memref<1024xi32, #tpu.memory_space<vmem>>, vector<16xi32>,
    tpu.vector_store %arg10[%swap3A_123], %gather3A_122 {strides = array<i32>} : memref<1024xi32, #tpu.memory_space<vmem>>, vector<16xi32>,
    %get3A_125 = arith.constant 368 : index
    %get3A_126 = tpu.vector_load %arg9[%get3A_125] {strides = array<i32>} : memref<1024xi32, #tpu.memory_space<vmem>>, vector<16xi32>,
    %gather3A_127 = tpu.vector_load_idx %arg8[%get3A_126] : memref<1024xi32, #tpu.memory_space<vmem>>[vector<16xi32>], vector<16xi32>,
    %swap3A_128 = arith.constant 368 : index
    %swap3A_129 = tpu.vector_load %arg10[%swap3A_128] {strides = array<i32>} : memref<1024xi32, #tpu.memory_space<vmem>>, vector<16xi32>,
    tpu.vector_store %arg10[%swap3A_128], %gather3A_127 {strides = array<i32>} : memref<1024xi32, #tpu.memory_space<vmem>>, vector<16xi32>,
    %get3A_130 = arith.constant 384 : index
    %get3A_131 = tpu.vector_load %arg9[%get3A_130] {strides = array<i32>} : memref<1024xi32, #tpu.memory_space<vmem>>, vector<16xi32>,
    %gather3A_132 = tpu.vector_load_idx %arg8[%get3A_131] : memref<1024xi32, #tpu.memory_space<vmem>>[vector<16xi32>], vector<16xi32>,
    %swap3A_133 = arith.constant 384 : index
    %swap3A_134 = tpu.vector_load %arg10[%swap3A_133] {strides = array<i32>} : memref<1024xi32, #tpu.memory_space<vmem>>, vector<16xi32>,
    tpu.vector_store %arg10[%swap3A_133], %gather3A_132 {strides = array<i32>} : memref<1024xi32, #tpu.memory_space<vmem>>, vector<16xi32>,
    %get3A_135 = arith.constant 400 : index
    %get3A_136 = tpu.vector_load %arg9[%get3A_135] {strides = array<i32>} : memref<1024xi32, #tpu.memory_space<vmem>>, vector<16xi32>,
    %gather3A_137 = tpu.vector_load_idx %arg8[%get3A_136] : memref<1024xi32, #tpu.memory_space<vmem>>[vector<16xi32>], vector<16xi32>,
    %swap3A_138 = arith.constant 400 : index
    %swap3A_139 = tpu.vector_load %arg10[%swap3A_138] {strides = array<i32>} : memref<1024xi32, #tpu.memory_space<vmem>>, vector<16xi32>,
    tpu.vector_store %arg10[%swap3A_138], %gather3A_137 {strides = array<i32>} : memref<1024xi32, #tpu.memory_space<vmem>>, vector<16xi32>,
    %get3A_140 = arith.constant 416 : index
    %get3A_141 = tpu.vector_load %arg9[%get3A_140] {strides = array<i32>} : memref<1024xi32, #tpu.memory_space<vmem>>, vector<16xi32>,
    %gather3A_142 = tpu.vector_load_idx %arg8[%get3A_141] : memref<1024xi32, #tpu.memory_space<vmem>>[vector<16xi32>], vector<16xi32>,
    %swap3A_143 = arith.constant 416 : index
    %swap3A_144 = tpu.vector_load %arg10[%swap3A_143] {strides = array<i32>} : memref<1024xi32, #tpu.memory_space<vmem>>, vector<16xi32>,
    tpu.vector_store %arg10[%swap3A_143], %gather3A_142 {strides = array<i32>} : memref<1024xi32, #tpu.memory_space<vmem>>, vector<16xi32>,
    %get3A_145 = arith.constant 432 : index
    %get3A_146 = tpu.vector_load %arg9[%get3A_145] {strides = array<i32>} : memref<1024xi32, #tpu.memory_space<vmem>>, vector<16xi32>,
    %gather3A_147 = tpu.vector_load_idx %arg8[%get3A_146] : memref<1024xi32, #tpu.memory_space<vmem>>[vector<16xi32>], vector<16xi32>,
    %swap3A_148 = arith.constant 432 : index
    %swap3A_149 = tpu.vector_load %arg10[%swap3A_148] {strides = array<i32>} : memref<1024xi32, #tpu.memory_space<vmem>>, vector<16xi32>,
    tpu.vector_store %arg10[%swap3A_148], %gather3A_147 {strides = array<i32>} : memref<1024xi32, #tpu.memory_space<vmem>>, vector<16xi32>,
    %get3A_150 = arith.constant 448 : index
    %get3A_151 = tpu.vector_load %arg9[%get3A_150] {strides = array<i32>} : memref<1024xi32, #tpu.memory_space<vmem>>, vector<16xi32>,
    %gather3A_152 = tpu.vector_load_idx %arg8[%get3A_151] : memref<1024xi32, #tpu.memory_space<vmem>>[vector<16xi32>], vector<16xi32>,
    %swap3A_153 = arith.constant 448 : index
    %swap3A_154 = tpu.vector_load %arg10[%swap3A_153] {strides = array<i32>} : memref<1024xi32, #tpu.memory_space<vmem>>, vector<16xi32>,
    tpu.vector_store %arg10[%swap3A_153], %gather3A_152 {strides = array<i32>} : memref<1024xi32, #tpu.memory_space<vmem>>, vector<16xi32>,
    %get3A_155 = arith.constant 464 : index
    %get3A_156 = tpu.vector_load %arg9[%get3A_155] {strides = array<i32>} : memref<1024xi32, #tpu.memory_space<vmem>>, vector<16xi32>,
    %gather3A_157 = tpu.vector_load_idx %arg8[%get3A_156] : memref<1024xi32, #tpu.memory_space<vmem>>[vector<16xi32>], vector<16xi32>,
    %swap3A_158 = arith.constant 464 : index
    %swap3A_159 = tpu.vector_load %arg10[%swap3A_158] {strides = array<i32>} : memref<1024xi32, #tpu.memory_space<vmem>>, vector<16xi32>,
    tpu.vector_store %arg10[%swap3A_158], %gather3A_157 {strides = array<i32>} : memref<1024xi32, #tpu.memory_space<vmem>>, vector<16xi32>,
    %get3A_160 = arith.constant 480 : index
    %get3A_161 = tpu.vector_load %arg9[%get3A_160] {strides = array<i32>} : memref<1024xi32, #tpu.memory_space<vmem>>, vector<16xi32>,
    %gather3A_162 = tpu.vector_load_idx %arg8[%get3A_161] : memref<1024xi32, #tpu.memory_space<vmem>>[vector<16xi32>], vector<16xi32>,
    %swap3A_163 = arith.constant 480 : index
    %swap3A_164 = tpu.vector_load %arg10[%swap3A_163] {strides = array<i32>} : memref<1024xi32, #tpu.memory_space<vmem>>, vector<16xi32>,
    tpu.vector_store %arg10[%swap3A_163], %gather3A_162 {strides = array<i32>} : memref<1024xi32, #tpu.memory_space<vmem>>, vector<16xi32>,
    %get3A_165 = arith.constant 496 : index
    %get3A_166 = tpu.vector_load %arg9[%get3A_165] {strides = array<i32>} : memref<1024xi32, #tpu.memory_space<vmem>>, vector<16xi32>,
    %gather3A_167 = tpu.vector_load_idx %arg8[%get3A_166] : memref<1024xi32, #tpu.memory_space<vmem>>[vector<16xi32>], vector<16xi32>,
    %swap3A_168 = arith.constant 496 : index
    %swap3A_169 = tpu.vector_load %arg10[%swap3A_168] {strides = array<i32>} : memref<1024xi32, #tpu.memory_space<vmem>>, vector<16xi32>,
    tpu.vector_store %arg10[%swap3A_168], %gather3A_167 {strides = array<i32>} : memref<1024xi32, #tpu.memory_space<vmem>>, vector<16xi32>,
    %get3A_170 = arith.constant 512 : index
    %get3A_171 = tpu.vector_load %arg9[%get3A_170] {strides = array<i32>} : memref<1024xi32, #tpu.memory_space<vmem>>, vector<16xi32>,
    %gather3A_172 = tpu.vector_load_idx %arg8[%get3A_171] : memref<1024xi32, #tpu.memory_space<vmem>>[vector<16xi32>], vector<16xi32>,
    %swap3A_173 = arith.constant 512 : index
    %swap3A_174 = tpu.vector_load %arg10[%swap3A_173] {strides = array<i32>} : memref<1024xi32, #tpu.memory_space<vmem>>, vector<16xi32>,
    tpu.vector_store %arg10[%swap3A_173], %gather3A_172 {strides = array<i32>} : memref<1024xi32, #tpu.memory_space<vmem>>, vector<16xi32>,
    %get3A_175 = arith.constant 528 : index
    %get3A_176 = tpu.vector_load %arg9[%get3A_175] {strides = array<i32>} : memref<1024xi32, #tpu.memory_space<vmem>>, vector<16xi32>,
    %gather3A_177 = tpu.vector_load_idx %arg8[%get3A_176] : memref<1024xi32, #tpu.memory_space<vmem>>[vector<16xi32>], vector<16xi32>,
    %swap3A_178 = arith.constant 528 : index
    %swap3A_179 = tpu.vector_load %arg10[%swap3A_178] {strides = array<i32>} : memref<1024xi32, #tpu.memory_space<vmem>>, vector<16xi32>,
    tpu.vector_store %arg10[%swap3A_178], %gather3A_177 {strides = array<i32>} : memref<1024xi32, #tpu.memory_space<vmem>>, vector<16xi32>,
    %get3A_180 = arith.constant 544 : index
    %get3A_181 = tpu.vector_load %arg9[%get3A_180] {strides = array<i32>} : memref<1024xi32, #tpu.memory_space<vmem>>, vector<16xi32>,
    %gather3A_182 = tpu.vector_load_idx %arg8[%get3A_181] : memref<1024xi32, #tpu.memory_space<vmem>>[vector<16xi32>], vector<16xi32>,
    %swap3A_183 = arith.constant 544 : index
    %swap3A_184 = tpu.vector_load %arg10[%swap3A_183] {strides = array<i32>} : memref<1024xi32, #tpu.memory_space<vmem>>, vector<16xi32>,
    tpu.vector_store %arg10[%swap3A_183], %gather3A_182 {strides = array<i32>} : memref<1024xi32, #tpu.memory_space<vmem>>, vector<16xi32>,
    %get3A_185 = arith.constant 560 : index
    %get3A_186 = tpu.vector_load %arg9[%get3A_185] {strides = array<i32>} : memref<1024xi32, #tpu.memory_space<vmem>>, vector<16xi32>,
    %gather3A_187 = tpu.vector_load_idx %arg8[%get3A_186] : memref<1024xi32, #tpu.memory_space<vmem>>[vector<16xi32>], vector<16xi32>,
    %swap3A_188 = arith.constant 560 : index
    %swap3A_189 = tpu.vector_load %arg10[%swap3A_188] {strides = array<i32>} : memref<1024xi32, #tpu.memory_space<vmem>>, vector<16xi32>,
    tpu.vector_store %arg10[%swap3A_188], %gather3A_187 {strides = array<i32>} : memref<1024xi32, #tpu.memory_space<vmem>>, vector<16xi32>,
    %get3A_190 = arith.constant 576 : index
    %get3A_191 = tpu.vector_load %arg9[%get3A_190] {strides = array<i32>} : memref<1024xi32, #tpu.memory_space<vmem>>, vector<16xi32>,
    %gather3A_192 = tpu.vector_load_idx %arg8[%get3A_191] : memref<1024xi32, #tpu.memory_space<vmem>>[vector<16xi32>], vector<16xi32>,
    %swap3A_193 = arith.constant 576 : index
    %swap3A_194 = tpu.vector_load %arg10[%swap3A_193] {strides = array<i32>} : memref<1024xi32, #tpu.memory_space<vmem>>, vector<16xi32>,
    tpu.vector_store %arg10[%swap3A_193], %gather3A_192 {strides = array<i32>} : memref<1024xi32, #tpu.memory_space<vmem>>, vector<16xi32>,
    %get3A_195 = arith.constant 592 : index
    %get3A_196 = tpu.vector_load %arg9[%get3A_195] {strides = array<i32>} : memref<1024xi32, #tpu.memory_space<vmem>>, vector<16xi32>,
    %gather3A_197 = tpu.vector_load_idx %arg8[%get3A_196] : memref<1024xi32, #tpu.memory_space<vmem>>[vector<16xi32>], vector<16xi32>,
    %swap3A_198 = arith.constant 592 : index
    %swap3A_199 = tpu.vector_load %arg10[%swap3A_198] {strides = array<i32>} : memref<1024xi32, #tpu.memory_space<vmem>>, vector<16xi32>,
    tpu.vector_store %arg10[%swap3A_198], %gather3A_197 {strides = array<i32>} : memref<1024xi32, #tpu.memory_space<vmem>>, vector<16xi32>,
    %get3A_200 = arith.constant 608 : index
    %get3A_201 = tpu.vector_load %arg9[%get3A_200] {strides = array<i32>} : memref<1024xi32, #tpu.memory_space<vmem>>, vector<16xi32>,
    %gather3A_202 = tpu.vector_load_idx %arg8[%get3A_201] : memref<1024xi32, #tpu.memory_space<vmem>>[vector<16xi32>], vector<16xi32>,
    %swap3A_203 = arith.constant 608 : index
    %swap3A_204 = tpu.vector_load %arg10[%swap3A_203] {strides = array<i32>} : memref<1024xi32, #tpu.memory_space<vmem>>, vector<16xi32>,
    tpu.vector_store %arg10[%swap3A_203], %gather3A_202 {strides = array<i32>} : memref<1024xi32, #tpu.memory_space<vmem>>, vector<16xi32>,
    %get3A_205 = arith.constant 624 : index
    %get3A_206 = tpu.vector_load %arg9[%get3A_205] {strides = array<i32>} : memref<1024xi32, #tpu.memory_space<vmem>>, vector<16xi32>,
    %gather3A_207 = tpu.vector_load_idx %arg8[%get3A_206] : memref<1024xi32, #tpu.memory_space<vmem>>[vector<16xi32>], vector<16xi32>,
    %swap3A_208 = arith.constant 624 : index
    %swap3A_209 = tpu.vector_load %arg10[%swap3A_208] {strides = array<i32>} : memref<1024xi32, #tpu.memory_space<vmem>>, vector<16xi32>,
    tpu.vector_store %arg10[%swap3A_208], %gather3A_207 {strides = array<i32>} : memref<1024xi32, #tpu.memory_space<vmem>>, vector<16xi32>,
    %get3A_210 = arith.constant 640 : index
    %get3A_211 = tpu.vector_load %arg9[%get3A_210] {strides = array<i32>} : memref<1024xi32, #tpu.memory_space<vmem>>, vector<16xi32>,
    %gather3A_212 = tpu.vector_load_idx %arg8[%get3A_211] : memref<1024xi32, #tpu.memory_space<vmem>>[vector<16xi32>], vector<16xi32>,
    %swap3A_213 = arith.constant 640 : index
    %swap3A_214 = tpu.vector_load %arg10[%swap3A_213] {strides = array<i32>} : memref<1024xi32, #tpu.memory_space<vmem>>, vector<16xi32>,
    tpu.vector_store %arg10[%swap3A_213], %gather3A_212 {strides = array<i32>} : memref<1024xi32, #tpu.memory_space<vmem>>, vector<16xi32>,
    %get3A_215 = arith.constant 656 : index
    %get3A_216 = tpu.vector_load %arg9[%get3A_215] {strides = array<i32>} : memref<1024xi32, #tpu.memory_space<vmem>>, vector<16xi32>,
    %gather3A_217 = tpu.vector_load_idx %arg8[%get3A_216] : memref<1024xi32, #tpu.memory_space<vmem>>[vector<16xi32>], vector<16xi32>,
    %swap3A_218 = arith.constant 656 : index
    %swap3A_219 = tpu.vector_load %arg10[%swap3A_218] {strides = array<i32>} : memref<1024xi32, #tpu.memory_space<vmem>>, vector<16xi32>,
    tpu.vector_store %arg10[%swap3A_218], %gather3A_217 {strides = array<i32>} : memref<1024xi32, #tpu.memory_space<vmem>>, vector<16xi32>,
    %get3A_220 = arith.constant 672 : index
    %get3A_221 = tpu.vector_load %arg9[%get3A_220] {strides = array<i32>} : memref<1024xi32, #tpu.memory_space<vmem>>, vector<16xi32>,
    %gather3A_222 = tpu.vector_load_idx %arg8[%get3A_221] : memref<1024xi32, #tpu.memory_space<vmem>>[vector<16xi32>], vector<16xi32>,
    %swap3A_223 = arith.constant 672 : index
    %swap3A_224 = tpu.vector_load %arg10[%swap3A_223] {strides = array<i32>} : memref<1024xi32, #tpu.memory_space<vmem>>, vector<16xi32>,
    tpu.vector_store %arg10[%swap3A_223], %gather3A_222 {strides = array<i32>} : memref<1024xi32, #tpu.memory_space<vmem>>, vector<16xi32>,
    %get3A_225 = arith.constant 688 : index
    %get3A_226 = tpu.vector_load %arg9[%get3A_225] {strides = array<i32>} : memref<1024xi32, #tpu.memory_space<vmem>>, vector<16xi32>,
    %gather3A_227 = tpu.vector_load_idx %arg8[%get3A_226] : memref<1024xi32, #tpu.memory_space<vmem>>[vector<16xi32>], vector<16xi32>,
    %swap3A_228 = arith.constant 688 : index
    %swap3A_229 = tpu.vector_load %arg10[%swap3A_228] {strides = array<i32>} : memref<1024xi32, #tpu.memory_space<vmem>>, vector<16xi32>,
    tpu.vector_store %arg10[%swap3A_228], %gather3A_227 {strides = array<i32>} : memref<1024xi32, #tpu.memory_space<vmem>>, vector<16xi32>,
    %get3A_230 = arith.constant 704 : index
    %get3A_231 = tpu.vector_load %arg9[%get3A_230] {strides = array<i32>} : memref<1024xi32, #tpu.memory_space<vmem>>, vector<16xi32>,
    %gather3A_232 = tpu.vector_load_idx %arg8[%get3A_231] : memref<1024xi32, #tpu.memory_space<vmem>>[vector<16xi32>], vector<16xi32>,
    %swap3A_233 = arith.constant 704 : index
    %swap3A_234 = tpu.vector_load %arg10[%swap3A_233] {strides = array<i32>} : memref<1024xi32, #tpu.memory_space<vmem>>, vector<16xi32>,
    tpu.vector_store %arg10[%swap3A_233], %gather3A_232 {strides = array<i32>} : memref<1024xi32, #tpu.memory_space<vmem>>, vector<16xi32>,
    %get3A_235 = arith.constant 720 : index
    %get3A_236 = tpu.vector_load %arg9[%get3A_235] {strides = array<i32>} : memref<1024xi32, #tpu.memory_space<vmem>>, vector<16xi32>,
    %gather3A_237 = tpu.vector_load_idx %arg8[%get3A_236] : memref<1024xi32, #tpu.memory_space<vmem>>[vector<16xi32>], vector<16xi32>,
    %swap3A_238 = arith.constant 720 : index
    %swap3A_239 = tpu.vector_load %arg10[%swap3A_238] {strides = array<i32>} : memref<1024xi32, #tpu.memory_space<vmem>>, vector<16xi32>,
    tpu.vector_store %arg10[%swap3A_238], %gather3A_237 {strides = array<i32>} : memref<1024xi32, #tpu.memory_space<vmem>>, vector<16xi32>,
    %get3A_240 = arith.constant 736 : index
    %get3A_241 = tpu.vector_load %arg9[%get3A_240] {strides = array<i32>} : memref<1024xi32, #tpu.memory_space<vmem>>, vector<16xi32>,
    %gather3A_242 = tpu.vector_load_idx %arg8[%get3A_241] : memref<1024xi32, #tpu.memory_space<vmem>>[vector<16xi32>], vector<16xi32>,
    %swap3A_243 = arith.constant 736 : index
    %swap3A_244 = tpu.vector_load %arg10[%swap3A_243] {strides = array<i32>} : memref<1024xi32, #tpu.memory_space<vmem>>, vector<16xi32>,
    tpu.vector_store %arg10[%swap3A_243], %gather3A_242 {strides = array<i32>} : memref<1024xi32, #tpu.memory_space<vmem>>, vector<16xi32>,
    %get3A_245 = arith.constant 752 : index
    %get3A_246 = tpu.vector_load %arg9[%get3A_245] {strides = array<i32>} : memref<1024xi32, #tpu.memory_space<vmem>>, vector<16xi32>,
    %gather3A_247 = tpu.vector_load_idx %arg8[%get3A_246] : memref<1024xi32, #tpu.memory_space<vmem>>[vector<16xi32>], vector<16xi32>,
    %swap3A_248 = arith.constant 752 : index
    %swap3A_249 = tpu.vector_load %arg10[%swap3A_248] {strides = array<i32>} : memref<1024xi32, #tpu.memory_space<vmem>>, vector<16xi32>,
    tpu.vector_store %arg10[%swap3A_248], %gather3A_247 {strides = array<i32>} : memref<1024xi32, #tpu.memory_space<vmem>>, vector<16xi32>,
    %get3A_250 = arith.constant 768 : index
    %get3A_251 = tpu.vector_load %arg9[%get3A_250] {strides = array<i32>} : memref<1024xi32, #tpu.memory_space<vmem>>, vector<16xi32>,
    %gather3A_252 = tpu.vector_load_idx %arg8[%get3A_251] : memref<1024xi32, #tpu.memory_space<vmem>>[vector<16xi32>], vector<16xi32>,
    %swap3A_253 = arith.constant 768 : index
    %swap3A_254 = tpu.vector_load %arg10[%swap3A_253] {strides = array<i32>} : memref<1024xi32, #tpu.memory_space<vmem>>, vector<16xi32>,
    tpu.vector_store %arg10[%swap3A_253], %gather3A_252 {strides = array<i32>} : memref<1024xi32, #tpu.memory_space<vmem>>, vector<16xi32>,
    %get3A_255 = arith.constant 784 : index
    %get3A_256 = tpu.vector_load %arg9[%get3A_255] {strides = array<i32>} : memref<1024xi32, #tpu.memory_space<vmem>>, vector<16xi32>,
    %gather3A_257 = tpu.vector_load_idx %arg8[%get3A_256] : memref<1024xi32, #tpu.memory_space<vmem>>[vector<16xi32>], vector<16xi32>,
    %swap3A_258 = arith.constant 784 : index
    %swap3A_259 = tpu.vector_load %arg10[%swap3A_258] {strides = array<i32>} : memref<1024xi32, #tpu.memory_space<vmem>>, vector<16xi32>,
    tpu.vector_store %arg10[%swap3A_258], %gather3A_257 {strides = array<i32>} : memref<1024xi32, #tpu.memory_space<vmem>>, vector<16xi32>,
    %get3A_260 = arith.constant 800 : index
    %get3A_261 = tpu.vector_load %arg9[%get3A_260] {strides = array<i32>} : memref<1024xi32, #tpu.memory_space<vmem>>, vector<16xi32>,
    %gather3A_262 = tpu.vector_load_idx %arg8[%get3A_261] : memref<1024xi32, #tpu.memory_space<vmem>>[vector<16xi32>], vector<16xi32>,
    %swap3A_263 = arith.constant 800 : index
    %swap3A_264 = tpu.vector_load %arg10[%swap3A_263] {strides = array<i32>} : memref<1024xi32, #tpu.memory_space<vmem>>, vector<16xi32>,
    tpu.vector_store %arg10[%swap3A_263], %gather3A_262 {strides = array<i32>} : memref<1024xi32, #tpu.memory_space<vmem>>, vector<16xi32>,
    %get3A_265 = arith.constant 816 : index
    %get3A_266 = tpu.vector_load %arg9[%get3A_265] {strides = array<i32>} : memref<1024xi32, #tpu.memory_space<vmem>>, vector<16xi32>,
    %gather3A_267 = tpu.vector_load_idx %arg8[%get3A_266] : memref<1024xi32, #tpu.memory_space<vmem>>[vector<16xi32>], vector<16xi32>,
    %swap3A_268 = arith.constant 816 : index
    %swap3A_269 = tpu.vector_load %arg10[%swap3A_268] {strides = array<i32>} : memref<1024xi32, #tpu.memory_space<vmem>>, vector<16xi32>,
    tpu.vector_store %arg10[%swap3A_268], %gather3A_267 {strides = array<i32>} : memref<1024xi32, #tpu.memory_space<vmem>>, vector<16xi32>,
    %get3A_270 = arith.constant 832 : index
    %get3A_271 = tpu.vector_load %arg9[%get3A_270] {strides = array<i32>} : memref<1024xi32, #tpu.memory_space<vmem>>, vector<16xi32>,
    %gather3A_272 = tpu.vector_load_idx %arg8[%get3A_271] : memref<1024xi32, #tpu.memory_space<vmem>>[vector<16xi32>], vector<16xi32>,
    %swap3A_273 = arith.constant 832 : index
    %swap3A_274 = tpu.vector_load %arg10[%swap3A_273] {strides = array<i32>} : memref<1024xi32, #tpu.memory_space<vmem>>, vector<16xi32>,
    tpu.vector_store %arg10[%swap3A_273], %gather3A_272 {strides = array<i32>} : memref<1024xi32, #tpu.memory_space<vmem>>, vector<16xi32>,
    %get3A_275 = arith.constant 848 : index
    %get3A_276 = tpu.vector_load %arg9[%get3A_275] {strides = array<i32>} : memref<1024xi32, #tpu.memory_space<vmem>>, vector<16xi32>,
    %gather3A_277 = tpu.vector_load_idx %arg8[%get3A_276] : memref<1024xi32, #tpu.memory_space<vmem>>[vector<16xi32>], vector<16xi32>,
    %swap3A_278 = arith.constant 848 : index
    %swap3A_279 = tpu.vector_load %arg10[%swap3A_278] {strides = array<i32>} : memref<1024xi32, #tpu.memory_space<vmem>>, vector<16xi32>,
    tpu.vector_store %arg10[%swap3A_278], %gather3A_277 {strides = array<i32>} : memref<1024xi32, #tpu.memory_space<vmem>>, vector<16xi32>,
    %get3A_280 = arith.constant 864 : index
    %get3A_281 = tpu.vector_load %arg9[%get3A_280] {strides = array<i32>} : memref<1024xi32, #tpu.memory_space<vmem>>, vector<16xi32>,
    %gather3A_282 = tpu.vector_load_idx %arg8[%get3A_281] : memref<1024xi32, #tpu.memory_space<vmem>>[vector<16xi32>], vector<16xi32>,
    %swap3A_283 = arith.constant 864 : index
    %swap3A_284 = tpu.vector_load %arg10[%swap3A_283] {strides = array<i32>} : memref<1024xi32, #tpu.memory_space<vmem>>, vector<16xi32>,
    tpu.vector_store %arg10[%swap3A_283], %gather3A_282 {strides = array<i32>} : memref<1024xi32, #tpu.memory_space<vmem>>, vector<16xi32>,
    %get3A_285 = arith.constant 880 : index
    %get3A_286 = tpu.vector_load %arg9[%get3A_285] {strides = array<i32>} : memref<1024xi32, #tpu.memory_space<vmem>>, vector<16xi32>,
    %gather3A_287 = tpu.vector_load_idx %arg8[%get3A_286] : memref<1024xi32, #tpu.memory_space<vmem>>[vector<16xi32>], vector<16xi32>,
    %swap3A_288 = arith.constant 880 : index
    %swap3A_289 = tpu.vector_load %arg10[%swap3A_288] {strides = array<i32>} : memref<1024xi32, #tpu.memory_space<vmem>>, vector<16xi32>,
    tpu.vector_store %arg10[%swap3A_288], %gather3A_287 {strides = array<i32>} : memref<1024xi32, #tpu.memory_space<vmem>>, vector<16xi32>,
    %get3A_290 = arith.constant 896 : index
    %get3A_291 = tpu.vector_load %arg9[%get3A_290] {strides = array<i32>} : memref<1024xi32, #tpu.memory_space<vmem>>, vector<16xi32>,
    %gather3A_292 = tpu.vector_load_idx %arg8[%get3A_291] : memref<1024xi32, #tpu.memory_space<vmem>>[vector<16xi32>], vector<16xi32>,
    %swap3A_293 = arith.constant 896 : index
    %swap3A_294 = tpu.vector_load %arg10[%swap3A_293] {strides = array<i32>} : memref<1024xi32, #tpu.memory_space<vmem>>, vector<16xi32>,
    tpu.vector_store %arg10[%swap3A_293], %gather3A_292 {strides = array<i32>} : memref<1024xi32, #tpu.memory_space<vmem>>, vector<16xi32>,
    %get3A_295 = arith.constant 912 : index
    %get3A_296 = tpu.vector_load %arg9[%get3A_295] {strides = array<i32>} : memref<1024xi32, #tpu.memory_space<vmem>>, vector<16xi32>,
    %gather3A_297 = tpu.vector_load_idx %arg8[%get3A_296] : memref<1024xi32, #tpu.memory_space<vmem>>[vector<16xi32>], vector<16xi32>,
    %swap3A_298 = arith.constant 912 : index
    %swap3A_299 = tpu.vector_load %arg10[%swap3A_298] {strides = array<i32>} : memref<1024xi32, #tpu.memory_space<vmem>>, vector<16xi32>,
    tpu.vector_store %arg10[%swap3A_298], %gather3A_297 {strides = array<i32>} : memref<1024xi32, #tpu.memory_space<vmem>>, vector<16xi32>,
    %get3A_300 = arith.constant 928 : index
    %get3A_301 = tpu.vector_load %arg9[%get3A_300] {strides = array<i32>} : memref<1024xi32, #tpu.memory_space<vmem>>, vector<16xi32>,
    %gather3A_302 = tpu.vector_load_idx %arg8[%get3A_301] : memref<1024xi32, #tpu.memory_space<vmem>>[vector<16xi32>], vector<16xi32>,
    %swap3A_303 = arith.constant 928 : index
    %swap3A_304 = tpu.vector_load %arg10[%swap3A_303] {strides = array<i32>} : memref<1024xi32, #tpu.memory_space<vmem>>, vector<16xi32>,
    tpu.vector_store %arg10[%swap3A_303], %gather3A_302 {strides = array<i32>} : memref<1024xi32, #tpu.memory_space<vmem>>, vector<16xi32>,
    %get3A_305 = arith.constant 944 : index
    %get3A_306 = tpu.vector_load %arg9[%get3A_305] {strides = array<i32>} : memref<1024xi32, #tpu.memory_space<vmem>>, vector<16xi32>,
    %gather3A_307 = tpu.vector_load_idx %arg8[%get3A_306] : memref<1024xi32, #tpu.memory_space<vmem>>[vector<16xi32>], vector<16xi32>,
    %swap3A_308 = arith.constant 944 : index
    %swap3A_309 = tpu.vector_load %arg10[%swap3A_308] {strides = array<i32>} : memref<1024xi32, #tpu.memory_space<vmem>>, vector<16xi32>,
    tpu.vector_store %arg10[%swap3A_308], %gather3A_307 {strides = array<i32>} : memref<1024xi32, #tpu.memory_space<vmem>>, vector<16xi32>,
    %get3A_310 = arith.constant 960 : index
    %get3A_311 = tpu.vector_load %arg9[%get3A_310] {strides = array<i32>} : memref<1024xi32, #tpu.memory_space<vmem>>, vector<16xi32>,
    %gather3A_312 = tpu.vector_load_idx %arg8[%get3A_311] : memref<1024xi32, #tpu.memory_space<vmem>>[vector<16xi32>], vector<16xi32>,
    %swap3A_313 = arith.constant 960 : index
    %swap3A_314 = tpu.vector_load %arg10[%swap3A_313] {strides = array<i32>} : memref<1024xi32, #tpu.memory_space<vmem>>, vector<16xi32>,
    tpu.vector_store %arg10[%swap3A_313], %gather3A_312 {strides = array<i32>} : memref<1024xi32, #tpu.memory_space<vmem>>, vector<16xi32>,
    %get3A_315 = arith.constant 976 : index
    %get3A_316 = tpu.vector_load %arg9[%get3A_315] {strides = array<i32>} : memref<1024xi32, #tpu.memory_space<vmem>>, vector<16xi32>,
    %gather3A_317 = tpu.vector_load_idx %arg8[%get3A_316] : memref<1024xi32, #tpu.memory_space<vmem>>[vector<16xi32>], vector<16xi32>,
    %swap3A_318 = arith.constant 976 : index
    %swap3A_319 = tpu.vector_load %arg10[%swap3A_318] {strides = array<i32>} : memref<1024xi32, #tpu.memory_space<vmem>>, vector<16xi32>,
    tpu.vector_store %arg10[%swap3A_318], %gather3A_317 {strides = array<i32>} : memref<1024xi32, #tpu.memory_space<vmem>>, vector<16xi32>,
    %get3A_320 = arith.constant 992 : index
    %get3A_321 = tpu.vector_load %arg9[%get3A_320] {strides = array<i32>} : memref<1024xi32, #tpu.memory_space<vmem>>, vector<16xi32>,
    %gather3A_322 = tpu.vector_load_idx %arg8[%get3A_321] : memref<1024xi32, #tpu.memory_space<vmem>>[vector<16xi32>], vector<16xi32>,
    %swap3A_323 = arith.constant 992 : index
    %swap3A_324 = tpu.vector_load %arg10[%swap3A_323] {strides = array<i32>} : memref<1024xi32, #tpu.memory_space<vmem>>, vector<16xi32>,
    tpu.vector_store %arg10[%swap3A_323], %gather3A_322 {strides = array<i32>} : memref<1024xi32, #tpu.memory_space<vmem>>, vector<16xi32>,
    %get3A_325 = arith.constant 1008 : index
    %get3A_326 = tpu.vector_load %arg9[%get3A_325] {strides = array<i32>} : memref<1024xi32, #tpu.memory_space<vmem>>, vector<16xi32>,
    %gather3A_327 = tpu.vector_load_idx %arg8[%get3A_326] : memref<1024xi32, #tpu.memory_space<vmem>>[vector<16xi32>], vector<16xi32>,
    %swap3A_328 = arith.constant 1008 : index
    %swap3A_329 = tpu.vector_load %arg10[%swap3A_328] {strides = array<i32>} : memref<1024xi32, #tpu.memory_space<vmem>>, vector<16xi32>,
    tpu.vector_store %arg10[%swap3A_328], %gather3A_327 {strides = array<i32>} : memref<1024xi32, #tpu.memory_space<vmem>>, vector<16xi32>,
    %dma_start3A = arith.constant 0 : i32
    %dma_start3A_330 = arith.constant 0 : i32
    %dma_start3A_331 = tpu.memref_slice %arg12[%dma_start3A, %dma_start3A_330] : memref<1024x32xf32, #tpu.memory_space<vmem>> -> memref<128x32xf32, #tpu.memory_space<vmem>>
    %dma_start3A_332 = arith.constant 0 : i32
    %dma_start3A_333 = tpu.memref_slice %arg10[%dma_start3A_332] : memref<1024xi32, #tpu.memory_space<vmem>> -> memref<128xi32, #tpu.memory_space<vmem>>
    %dma_start3A_334 = arith.constant 0 : i32
    %dma_start3A_335 = arith.constant 0 : i32
    %dma_start3A_336 = tpu.memref_slice %arg2[%dma_start3A_334, %dma_start3A_335] : memref<8192x32xf32, #tpu.memory_space<hbm>> -> memref<8192x32xf32, #tpu.memory_space<hbm>>
    tpu.enqueue_indirect_dma source(%dma_start3A_336 : memref<8192x32xf32, #tpu.memory_space<hbm>>) target(%dma_start3A_331 : memref<128x32xf32, #tpu.memory_space<vmem>>) offsets(%dma_start3A_333 : memref<128xi32, #tpu.memory_space<vmem>>) semaphore(%arg13 : memref<!tpu.dma_semaphore, #tpu.memory_space<semaphore_mem>>)
    %dma_start3A_337 = arith.constant 128 : i32
    %dma_start3A_338 = arith.constant 0 : i32
    %dma_start3A_339 = tpu.memref_slice %arg12[%dma_start3A_337, %dma_start3A_338] : memref<1024x32xf32, #tpu.memory_space<vmem>> -> memref<128x32xf32, #tpu.memory_space<vmem>>
    %dma_start3A_340 = arith.constant 128 : i32
    %dma_start3A_341 = tpu.memref_slice %arg10[%dma_start3A_340] : memref<1024xi32, #tpu.memory_space<vmem>> -> memref<128xi32, #tpu.memory_space<vmem>>
    %dma_start3A_342 = arith.constant 0 : i32
    %dma_start3A_343 = arith.constant 0 : i32
    %dma_start3A_344 = tpu.memref_slice %arg2[%dma_start3A_342, %dma_start3A_343] : memref<8192x32xf32, #tpu.memory_space<hbm>> -> memref<8192x32xf32, #tpu.memory_space<hbm>>
    tpu.enqueue_indirect_dma source(%dma_start3A_344 : memref<8192x32xf32, #tpu.memory_space<hbm>>) target(%dma_start3A_339 : memref<128x32xf32, #tpu.memory_space<vmem>>) offsets(%dma_start3A_341 : memref<128xi32, #tpu.memory_space<vmem>>) semaphore(%arg13 : memref<!tpu.dma_semaphore, #tpu.memory_space<semaphore_mem>>)
    %dma_start3A_345 = arith.constant 256 : i32
    %dma_start3A_346 = arith.constant 0 : i32
    %dma_start3A_347 = tpu.memref_slice %arg12[%dma_start3A_345, %dma_start3A_346] : memref<1024x32xf32, #tpu.memory_space<vmem>> -> memref<128x32xf32, #tpu.memory_space<vmem>>
    %dma_start3A_348 = arith.constant 256 : i32
    %dma_start3A_349 = tpu.memref_slice %arg10[%dma_start3A_348] : memref<1024xi32, #tpu.memory_space<vmem>> -> memref<128xi32, #tpu.memory_space<vmem>>
    %dma_start3A_350 = arith.constant 0 : i32
    %dma_start3A_351 = arith.constant 0 : i32
    %dma_start3A_352 = tpu.memref_slice %arg2[%dma_start3A_350, %dma_start3A_351] : memref<8192x32xf32, #tpu.memory_space<hbm>> -> memref<8192x32xf32, #tpu.memory_space<hbm>>
    tpu.enqueue_indirect_dma source(%dma_start3A_352 : memref<8192x32xf32, #tpu.memory_space<hbm>>) target(%dma_start3A_347 : memref<128x32xf32, #tpu.memory_space<vmem>>) offsets(%dma_start3A_349 : memref<128xi32, #tpu.memory_space<vmem>>) semaphore(%arg13 : memref<!tpu.dma_semaphore, #tpu.memory_space<semaphore_mem>>)
    %dma_start3A_353 = arith.constant 384 : i32
    %dma_start3A_354 = arith.constant 0 : i32
    %dma_start3A_355 = tpu.memref_slice %arg12[%dma_start3A_353, %dma_start3A_354] : memref<1024x32xf32, #tpu.memory_space<vmem>> -> memref<128x32xf32, #tpu.memory_space<vmem>>
    %dma_start3A_356 = arith.constant 384 : i32
    %dma_start3A_357 = tpu.memref_slice %arg10[%dma_start3A_356] : memref<1024xi32, #tpu.memory_space<vmem>> -> memref<128xi32, #tpu.memory_space<vmem>>
    %dma_start3A_358 = arith.constant 0 : i32
    %dma_start3A_359 = arith.constant 0 : i32
    %dma_start3A_360 = tpu.memref_slice %arg2[%dma_start3A_358, %dma_start3A_359] : memref<8192x32xf32, #tpu.memory_space<hbm>> -> memref<8192x32xf32, #tpu.memory_space<hbm>>
    tpu.enqueue_indirect_dma source(%dma_start3A_360 : memref<8192x32xf32, #tpu.memory_space<hbm>>) target(%dma_start3A_355 : memref<128x32xf32, #tpu.memory_space<vmem>>) offsets(%dma_start3A_357 : memref<128xi32, #tpu.memory_space<vmem>>) semaphore(%arg13 : memref<!tpu.dma_semaphore, #tpu.memory_space<semaphore_mem>>)
    %dma_start3A_361 = arith.constant 512 : i32
    %dma_start3A_362 = arith.constant 0 : i32
    %dma_start3A_363 = tpu.memref_slice %arg12[%dma_start3A_361, %dma_start3A_362] : memref<1024x32xf32, #tpu.memory_space<vmem>> -> memref<128x32xf32, #tpu.memory_space<vmem>>
    %dma_start3A_364 = arith.constant 512 : i32
    %dma_start3A_365 = tpu.memref_slice %arg10[%dma_start3A_364] : memref<1024xi32, #tpu.memory_space<vmem>> -> memref<128xi32, #tpu.memory_space<vmem>>
    %dma_start3A_366 = arith.constant 0 : i32
    %dma_start3A_367 = arith.constant 0 : i32
    %dma_start3A_368 = tpu.memref_slice %arg2[%dma_start3A_366, %dma_start3A_367] : memref<8192x32xf32, #tpu.memory_space<hbm>> -> memref<8192x32xf32, #tpu.memory_space<hbm>>
    tpu.enqueue_indirect_dma source(%dma_start3A_368 : memref<8192x32xf32, #tpu.memory_space<hbm>>) target(%dma_start3A_363 : memref<128x32xf32, #tpu.memory_space<vmem>>) offsets(%dma_start3A_365 : memref<128xi32, #tpu.memory_space<vmem>>) semaphore(%arg13 : memref<!tpu.dma_semaphore, #tpu.memory_space<semaphore_mem>>)
    %dma_start3A_369 = arith.constant 640 : i32
    %dma_start3A_370 = arith.constant 0 : i32
    %dma_start3A_371 = tpu.memref_slice %arg12[%dma_start3A_369, %dma_start3A_370] : memref<1024x32xf32, #tpu.memory_space<vmem>> -> memref<128x32xf32, #tpu.memory_space<vmem>>
    %dma_start3A_372 = arith.constant 640 : i32
    %dma_start3A_373 = tpu.memref_slice %arg10[%dma_start3A_372] : memref<1024xi32, #tpu.memory_space<vmem>> -> memref<128xi32, #tpu.memory_space<vmem>>
    %dma_start3A_374 = arith.constant 0 : i32
    %dma_start3A_375 = arith.constant 0 : i32
    %dma_start3A_376 = tpu.memref_slice %arg2[%dma_start3A_374, %dma_start3A_375] : memref<8192x32xf32, #tpu.memory_space<hbm>> -> memref<8192x32xf32, #tpu.memory_space<hbm>>
    tpu.enqueue_indirect_dma source(%dma_start3A_376 : memref<8192x32xf32, #tpu.memory_space<hbm>>) target(%dma_start3A_371 : memref<128x32xf32, #tpu.memory_space<vmem>>) offsets(%dma_start3A_373 : memref<128xi32, #tpu.memory_space<vmem>>) semaphore(%arg13 : memref<!tpu.dma_semaphore, #tpu.memory_space<semaphore_mem>>)
    %dma_start3A_377 = arith.constant 768 : i32
    %dma_start3A_378 = arith.constant 0 : i32
    %dma_start3A_379 = tpu.memref_slice %arg12[%dma_start3A_377, %dma_start3A_378] : memref<1024x32xf32, #tpu.memory_space<vmem>> -> memref<128x32xf32, #tpu.memory_space<vmem>>
    %dma_start3A_380 = arith.constant 768 : i32
    %dma_start3A_381 = tpu.memref_slice %arg10[%dma_start3A_380] : memref<1024xi32, #tpu.memory_space<vmem>> -> memref<128xi32, #tpu.memory_space<vmem>>
    %dma_start3A_382 = arith.constant 0 : i32
    %dma_start3A_383 = arith.constant 0 : i32
    %dma_start3A_384 = tpu.memref_slice %arg2[%dma_start3A_382, %dma_start3A_383] : memref<8192x32xf32, #tpu.memory_space<hbm>> -> memref<8192x32xf32, #tpu.memory_space<hbm>>
    tpu.enqueue_indirect_dma source(%dma_start3A_384 : memref<8192x32xf32, #tpu.memory_space<hbm>>) target(%dma_start3A_379 : memref<128x32xf32, #tpu.memory_space<vmem>>) offsets(%dma_start3A_381 : memref<128xi32, #tpu.memory_space<vmem>>) semaphore(%arg13 : memref<!tpu.dma_semaphore, #tpu.memory_space<semaphore_mem>>)
    %dma_start3A_385 = arith.constant 896 : i32
    %dma_start3A_386 = arith.constant 0 : i32
    %dma_start3A_387 = tpu.memref_slice %arg12[%dma_start3A_385, %dma_start3A_386] : memref<1024x32xf32, #tpu.memory_space<vmem>> -> memref<128x32xf32, #tpu.memory_space<vmem>>
    %dma_start3A_388 = arith.constant 896 : i32
    %dma_start3A_389 = tpu.memref_slice %arg10[%dma_start3A_388] : memref<1024xi32, #tpu.memory_space<vmem>> -> memref<128xi32, #tpu.memory_space<vmem>>
    %dma_start3A_390 = arith.constant 0 : i32
    %dma_start3A_391 = arith.constant 0 : i32
    %dma_start3A_392 = tpu.memref_slice %arg2[%dma_start3A_390, %dma_start3A_391] : memref<8192x32xf32, #tpu.memory_space<hbm>> -> memref<8192x32xf32, #tpu.memory_space<hbm>>
    tpu.enqueue_indirect_dma source(%dma_start3A_392 : memref<8192x32xf32, #tpu.memory_space<hbm>>) target(%dma_start3A_387 : memref<128x32xf32, #tpu.memory_space<vmem>>) offsets(%dma_start3A_389 : memref<128xi32, #tpu.memory_space<vmem>>) semaphore(%arg13 : memref<!tpu.dma_semaphore, #tpu.memory_space<semaphore_mem>>)
    "tpu.region"() ({
      %run_scoped3A_457 = tpu.sem_alloc : memref<!tpu.dma_semaphore, #tpu.memory_space<semaphore_mem>>
      %dma_start3A_458 = tpu.memref_slice %arg5[%mul3A_2] : memref<32768xi32, #tpu.memory_space<hbm>> -> memref<1024xi32, #tpu.memory_space<hbm>>
      %dma_start3A_459 = tpu.memref_slice %arg5[%mul3A_2] : memref<32768xi32, #tpu.memory_space<hbm>> -> memref<1024xi32, #tpu.memory_space<hbm>>
      tpu.enqueue_dma source(%dma_start3A_459 : memref<1024xi32, #tpu.memory_space<hbm>>) target(%arg11 : memref<1024xi32, #tpu.memory_space<vmem>>) target_semaphore(%run_scoped3A_457 : memref<!tpu.dma_semaphore, #tpu.memory_space<semaphore_mem>>)
      %dma_wait3A_460 = tpu.memref_slice %arg5[%mul3A_2] : memref<32768xi32, #tpu.memory_space<hbm>> -> memref<1024xi32, #tpu.memory_space<hbm>>
      %dma_wait3A_461 = tpu.memref_slice %arg5[%mul3A_2] : memref<32768xi32, #tpu.memory_space<hbm>> -> memref<1024xi32, #tpu.memory_space<hbm>>
      tpu.wait_dma2 semaphore(%run_scoped3A_457 : memref<!tpu.dma_semaphore, #tpu.memory_space<semaphore_mem>>) src(%dma_wait3A_461 : memref<1024xi32, #tpu.memory_space<hbm>>) dst(%arg11 : memref<1024xi32, #tpu.memory_space<vmem>>)
      tpu.yield
    }) : () -> ()
    %run_scoped3A = arith.constant 1 : i32
    "tpu.region"() ({
      %run_scoped3A_457 = tpu.sem_alloc : memref<!tpu.dma_semaphore, #tpu.memory_space<semaphore_mem>>
      %dma_start3A_458 = tpu.memref_slice %arg6[%run_scoped3A, %mul3A_2] : memref<2x32768xi32, #tpu.memory_space<hbm>> -> memref<1x1024xi32, #tpu.memory_space<hbm>>
      %dma_start3A_459 = tpu.memref_squeeze %dma_start3A_458 : memref<1x1024xi32, #tpu.memory_space<hbm>> -> memref<1024xi32, #tpu.memory_space<hbm>>
      %dma_start3A_460 = tpu.memref_slice %arg6[%run_scoped3A, %mul3A_2] : memref<2x32768xi32, #tpu.memory_space<hbm>> -> memref<1x1024xi32, #tpu.memory_space<hbm>>
      %dma_start3A_461 = tpu.memref_squeeze %dma_start3A_460 : memref<1x1024xi32, #tpu.memory_space<hbm>> -> memref<1024xi32, #tpu.memory_space<hbm>>
      tpu.enqueue_dma source(%arg11 : memref<1024xi32, #tpu.memory_space<vmem>>) target(%dma_start3A_461 : memref<1024xi32, #tpu.memory_space<hbm>>) target_semaphore(%run_scoped3A_457 : memref<!tpu.dma_semaphore, #tpu.memory_space<semaphore_mem>>)
      %dma_wait3A_462 = tpu.memref_slice %arg6[%run_scoped3A, %mul3A_2] : memref<2x32768xi32, #tpu.memory_space<hbm>> -> memref<1x1024xi32, #tpu.memory_space<hbm>>
      %dma_wait3A_463 = tpu.memref_squeeze %dma_wait3A_462 : memref<1x1024xi32, #tpu.memory_space<hbm>> -> memref<1024xi32, #tpu.memory_space<hbm>>
      %dma_wait3A_464 = tpu.memref_slice %arg6[%run_scoped3A, %mul3A_2] : memref<2x32768xi32, #tpu.memory_space<hbm>> -> memref<1x1024xi32, #tpu.memory_space<hbm>>
      %dma_wait3A_465 = tpu.memref_squeeze %dma_wait3A_464 : memref<1x1024xi32, #tpu.memory_space<hbm>> -> memref<1024xi32, #tpu.memory_space<hbm>>
      tpu.wait_dma2 semaphore(%run_scoped3A_457 : memref<!tpu.dma_semaphore, #tpu.memory_space<semaphore_mem>>) src(%arg11 : memref<1024xi32, #tpu.memory_space<vmem>>) dst(%dma_wait3A_465 : memref<1024xi32, #tpu.memory_space<hbm>>)
      tpu.yield
    }) : () -> ()
    %run_scoped3A_393 = arith.constant 0 : i32
    "tpu.region"() ({
      %run_scoped3A_457 = tpu.sem_alloc : memref<!tpu.dma_semaphore, #tpu.memory_space<semaphore_mem>>
      %dma_start3A_458 = tpu.memref_slice %arg6[%run_scoped3A_393, %mul3A_2] : memref<2x32768xi32, #tpu.memory_space<hbm>> -> memref<1x1024xi32, #tpu.memory_space<hbm>>
      %dma_start3A_459 = tpu.memref_squeeze %dma_start3A_458 : memref<1x1024xi32, #tpu.memory_space<hbm>> -> memref<1024xi32, #tpu.memory_space<hbm>>
      %dma_start3A_460 = tpu.memref_slice %arg6[%run_scoped3A_393, %mul3A_2] : memref<2x32768xi32, #tpu.memory_space<hbm>> -> memref<1x1024xi32, #tpu.memory_space<hbm>>
      %dma_start3A_461 = tpu.memref_squeeze %dma_start3A_460 : memref<1x1024xi32, #tpu.memory_space<hbm>> -> memref<1024xi32, #tpu.memory_space<hbm>>
      tpu.enqueue_dma source(%arg10 : memref<1024xi32, #tpu.memory_space<vmem>>) target(%dma_start3A_461 : memref<1024xi32, #tpu.memory_space<hbm>>) target_semaphore(%run_scoped3A_457 : memref<!tpu.dma_semaphore, #tpu.memory_space<semaphore_mem>>)
      %dma_wait3A_462 = tpu.memref_slice %arg6[%run_scoped3A_393, %mul3A_2] : memref<2x32768xi32, #tpu.memory_space<hbm>> -> memref<1x1024xi32, #tpu.memory_space<hbm>>
      %dma_wait3A_463 = tpu.memref_squeeze %dma_wait3A_462 : memref<1x1024xi32, #tpu.memory_space<hbm>> -> memref<1024xi32, #tpu.memory_space<hbm>>
      %dma_wait3A_464 = tpu.memref_slice %arg6[%run_scoped3A_393, %mul3A_2] : memref<2x32768xi32, #tpu.memory_space<hbm>> -> memref<1x1024xi32, #tpu.memory_space<hbm>>
      %dma_wait3A_465 = tpu.memref_squeeze %dma_wait3A_464 : memref<1x1024xi32, #tpu.memory_space<hbm>> -> memref<1024xi32, #tpu.memory_space<hbm>>
      tpu.wait_dma2 semaphore(%run_scoped3A_457 : memref<!tpu.dma_semaphore, #tpu.memory_space<semaphore_mem>>) src(%arg10 : memref<1024xi32, #tpu.memory_space<vmem>>) dst(%dma_wait3A_465 : memref<1024xi32, #tpu.memory_space<hbm>>)
      tpu.yield
    }) : () -> ()
    %dma_wait3A = arith.constant 0 : i32
    %dma_wait3A_394 = arith.constant 0 : i32
    %dma_wait3A_395 = tpu.memref_slice %arg12[%dma_wait3A, %dma_wait3A_394] : memref<1024x32xf32, #tpu.memory_space<vmem>> -> memref<128x32xf32, #tpu.memory_space<vmem>>
    %dma_wait3A_396 = arith.constant 0 : i32
    %dma_wait3A_397 = tpu.memref_slice %arg10[%dma_wait3A_396] : memref<1024xi32, #tpu.memory_space<vmem>> -> memref<128xi32, #tpu.memory_space<vmem>>
    %dma_wait3A_398 = arith.constant 0 : i32
    %dma_wait3A_399 = arith.constant 0 : i32
    %dma_wait3A_400 = tpu.memref_slice %arg2[%dma_wait3A_398, %dma_wait3A_399] : memref<8192x32xf32, #tpu.memory_space<hbm>> -> memref<8192x32xf32, #tpu.memory_space<hbm>>
    tpu.wait_indirect_dma semaphore(%arg13 : memref<!tpu.dma_semaphore, #tpu.memory_space<semaphore_mem>>) src(%dma_wait3A_400 : memref<8192x32xf32, #tpu.memory_space<hbm>>) dst(%dma_wait3A_395 : memref<128x32xf32, #tpu.memory_space<vmem>>)
    %dma_wait3A_401 = arith.constant 128 : i32
    %dma_wait3A_402 = arith.constant 0 : i32
    %dma_wait3A_403 = tpu.memref_slice %arg12[%dma_wait3A_401, %dma_wait3A_402] : memref<1024x32xf32, #tpu.memory_space<vmem>> -> memref<128x32xf32, #tpu.memory_space<vmem>>
    %dma_wait3A_404 = arith.constant 128 : i32
    %dma_wait3A_405 = tpu.memref_slice %arg10[%dma_wait3A_404] : memref<1024xi32, #tpu.memory_space<vmem>> -> memref<128xi32, #tpu.memory_space<vmem>>
    %dma_wait3A_406 = arith.constant 0 : i32
    %dma_wait3A_407 = arith.constant 0 : i32
    %dma_wait3A_408 = tpu.memref_slice %arg2[%dma_wait3A_406, %dma_wait3A_407] : memref<8192x32xf32, #tpu.memory_space<hbm>> -> memref<8192x32xf32, #tpu.memory_space<hbm>>
    tpu.wait_indirect_dma semaphore(%arg13 : memref<!tpu.dma_semaphore, #tpu.memory_space<semaphore_mem>>) src(%dma_wait3A_408 : memref<8192x32xf32, #tpu.memory_space<hbm>>) dst(%dma_wait3A_403 : memref<128x32xf32, #tpu.memory_space<vmem>>)
    %dma_wait3A_409 = arith.constant 256 : i32
    %dma_wait3A_410 = arith.constant 0 : i32
    %dma_wait3A_411 = tpu.memref_slice %arg12[%dma_wait3A_409, %dma_wait3A_410] : memref<1024x32xf32, #tpu.memory_space<vmem>> -> memref<128x32xf32, #tpu.memory_space<vmem>>
    %dma_wait3A_412 = arith.constant 256 : i32
    %dma_wait3A_413 = tpu.memref_slice %arg10[%dma_wait3A_412] : memref<1024xi32, #tpu.memory_space<vmem>> -> memref<128xi32, #tpu.memory_space<vmem>>
    %dma_wait3A_414 = arith.constant 0 : i32
    %dma_wait3A_415 = arith.constant 0 : i32
    %dma_wait3A_416 = tpu.memref_slice %arg2[%dma_wait3A_414, %dma_wait3A_415] : memref<8192x32xf32, #tpu.memory_space<hbm>> -> memref<8192x32xf32, #tpu.memory_space<hbm>>
    tpu.wait_indirect_dma semaphore(%arg13 : memref<!tpu.dma_semaphore, #tpu.memory_space<semaphore_mem>>) src(%dma_wait3A_416 : memref<8192x32xf32, #tpu.memory_space<hbm>>) dst(%dma_wait3A_411 : memref<128x32xf32, #tpu.memory_space<vmem>>)
    %dma_wait3A_417 = arith.constant 384 : i32
    %dma_wait3A_418 = arith.constant 0 : i32
    %dma_wait3A_419 = tpu.memref_slice %arg12[%dma_wait3A_417, %dma_wait3A_418] : memref<1024x32xf32, #tpu.memory_space<vmem>> -> memref<128x32xf32, #tpu.memory_space<vmem>>
    %dma_wait3A_420 = arith.constant 384 : i32
    %dma_wait3A_421 = tpu.memref_slice %arg10[%dma_wait3A_420] : memref<1024xi32, #tpu.memory_space<vmem>> -> memref<128xi32, #tpu.memory_space<vmem>>
    %dma_wait3A_422 = arith.constant 0 : i32
    %dma_wait3A_423 = arith.constant 0 : i32
    %dma_wait3A_424 = tpu.memref_slice %arg2[%dma_wait3A_422, %dma_wait3A_423] : memref<8192x32xf32, #tpu.memory_space<hbm>> -> memref<8192x32xf32, #tpu.memory_space<hbm>>
    tpu.wait_indirect_dma semaphore(%arg13 : memref<!tpu.dma_semaphore, #tpu.memory_space<semaphore_mem>>) src(%dma_wait3A_424 : memref<8192x32xf32, #tpu.memory_space<hbm>>) dst(%dma_wait3A_419 : memref<128x32xf32, #tpu.memory_space<vmem>>)
    %dma_wait3A_425 = arith.constant 512 : i32
    %dma_wait3A_426 = arith.constant 0 : i32
    %dma_wait3A_427 = tpu.memref_slice %arg12[%dma_wait3A_425, %dma_wait3A_426] : memref<1024x32xf32, #tpu.memory_space<vmem>> -> memref<128x32xf32, #tpu.memory_space<vmem>>
    %dma_wait3A_428 = arith.constant 512 : i32
    %dma_wait3A_429 = tpu.memref_slice %arg10[%dma_wait3A_428] : memref<1024xi32, #tpu.memory_space<vmem>> -> memref<128xi32, #tpu.memory_space<vmem>>
    %dma_wait3A_430 = arith.constant 0 : i32
    %dma_wait3A_431 = arith.constant 0 : i32
    %dma_wait3A_432 = tpu.memref_slice %arg2[%dma_wait3A_430, %dma_wait3A_431] : memref<8192x32xf32, #tpu.memory_space<hbm>> -> memref<8192x32xf32, #tpu.memory_space<hbm>>
    tpu.wait_indirect_dma semaphore(%arg13 : memref<!tpu.dma_semaphore, #tpu.memory_space<semaphore_mem>>) src(%dma_wait3A_432 : memref<8192x32xf32, #tpu.memory_space<hbm>>) dst(%dma_wait3A_427 : memref<128x32xf32, #tpu.memory_space<vmem>>)
    %dma_wait3A_433 = arith.constant 640 : i32
    %dma_wait3A_434 = arith.constant 0 : i32
    %dma_wait3A_435 = tpu.memref_slice %arg12[%dma_wait3A_433, %dma_wait3A_434] : memref<1024x32xf32, #tpu.memory_space<vmem>> -> memref<128x32xf32, #tpu.memory_space<vmem>>
    %dma_wait3A_436 = arith.constant 640 : i32
    %dma_wait3A_437 = tpu.memref_slice %arg10[%dma_wait3A_436] : memref<1024xi32, #tpu.memory_space<vmem>> -> memref<128xi32, #tpu.memory_space<vmem>>
    %dma_wait3A_438 = arith.constant 0 : i32
    %dma_wait3A_439 = arith.constant 0 : i32
    %dma_wait3A_440 = tpu.memref_slice %arg2[%dma_wait3A_438, %dma_wait3A_439] : memref<8192x32xf32, #tpu.memory_space<hbm>> -> memref<8192x32xf32, #tpu.memory_space<hbm>>
    tpu.wait_indirect_dma semaphore(%arg13 : memref<!tpu.dma_semaphore, #tpu.memory_space<semaphore_mem>>) src(%dma_wait3A_440 : memref<8192x32xf32, #tpu.memory_space<hbm>>) dst(%dma_wait3A_435 : memref<128x32xf32, #tpu.memory_space<vmem>>)
    %dma_wait3A_441 = arith.constant 768 : i32
    %dma_wait3A_442 = arith.constant 0 : i32
    %dma_wait3A_443 = tpu.memref_slice %arg12[%dma_wait3A_441, %dma_wait3A_442] : memref<1024x32xf32, #tpu.memory_space<vmem>> -> memref<128x32xf32, #tpu.memory_space<vmem>>
    %dma_wait3A_444 = arith.constant 768 : i32
    %dma_wait3A_445 = tpu.memref_slice %arg10[%dma_wait3A_444] : memref<1024xi32, #tpu.memory_space<vmem>> -> memref<128xi32, #tpu.memory_space<vmem>>
    %dma_wait3A_446 = arith.constant 0 : i32
    %dma_wait3A_447 = arith.constant 0 : i32
    %dma_wait3A_448 = tpu.memref_slice %arg2[%dma_wait3A_446, %dma_wait3A_447] : memref<8192x32xf32, #tpu.memory_space<hbm>> -> memref<8192x32xf32, #tpu.memory_space<hbm>>
    tpu.wait_indirect_dma semaphore(%arg13 : memref<!tpu.dma_semaphore, #tpu.memory_space<semaphore_mem>>) src(%dma_wait3A_448 : memref<8192x32xf32, #tpu.memory_space<hbm>>) dst(%dma_wait3A_443 : memref<128x32xf32, #tpu.memory_space<vmem>>)
    %dma_wait3A_449 = arith.constant 896 : i32
    %dma_wait3A_450 = arith.constant 0 : i32
    %dma_wait3A_451 = tpu.memref_slice %arg12[%dma_wait3A_449, %dma_wait3A_450] : memref<1024x32xf32, #tpu.memory_space<vmem>> -> memref<128x32xf32, #tpu.memory_space<vmem>>
    %dma_wait3A_452 = arith.constant 896 : i32
    %dma_wait3A_453 = tpu.memref_slice %arg10[%dma_wait3A_452] : memref<1024xi32, #tpu.memory_space<vmem>> -> memref<128xi32, #tpu.memory_space<vmem>>
    %dma_wait3A_454 = arith.constant 0 : i32
    %dma_wait3A_455 = arith.constant 0 : i32
    %dma_wait3A_456 = tpu.memref_slice %arg2[%dma_wait3A_454, %dma_wait3A_455] : memref<8192x32xf32, #tpu.memory_space<hbm>> -> memref<8192x32xf32, #tpu.memory_space<hbm>>
    tpu.wait_indirect_dma semaphore(%arg13 : memref<!tpu.dma_semaphore, #tpu.memory_space<semaphore_mem>>) src(%dma_wait3A_456 : memref<8192x32xf32, #tpu.memory_space<hbm>>) dst(%dma_wait3A_451 : memref<128x32xf32, #tpu.memory_space<vmem>>)
    "tpu.region"() ({
      %run_scoped3A_457 = tpu.sem_alloc : memref<!tpu.dma_semaphore, #tpu.memory_space<semaphore_mem>>
      %dma_start3A_458 = arith.constant 0 : i32
      %dma_start3A_459 = tpu.memref_slice %arg7[%mul3A_2, %dma_start3A_458] : memref<32768x32xf32, #tpu.memory_space<hbm>> -> memref<1024x32xf32, #tpu.memory_space<hbm>>
      %dma_start3A_460 = arith.constant 0 : i32
      %dma_start3A_461 = tpu.memref_slice %arg7[%mul3A_2, %dma_start3A_460] : memref<32768x32xf32, #tpu.memory_space<hbm>> -> memref<1024x32xf32, #tpu.memory_space<hbm>>
      tpu.enqueue_dma source(%arg12 : memref<1024x32xf32, #tpu.memory_space<vmem>>) target(%dma_start3A_461 : memref<1024x32xf32, #tpu.memory_space<hbm>>) target_semaphore(%run_scoped3A_457 : memref<!tpu.dma_semaphore, #tpu.memory_space<semaphore_mem>>)
      %dma_wait3A_462 = arith.constant 0 : i32
      %dma_wait3A_463 = tpu.memref_slice %arg7[%mul3A_2, %dma_wait3A_462] : memref<32768x32xf32, #tpu.memory_space<hbm>> -> memref<1024x32xf32, #tpu.memory_space<hbm>>
      %dma_wait3A_464 = arith.constant 0 : i32
      %dma_wait3A_465 = tpu.memref_slice %arg7[%mul3A_2, %dma_wait3A_464] : memref<32768x32xf32, #tpu.memory_space<hbm>> -> memref<1024x32xf32, #tpu.memory_space<hbm>>
      tpu.wait_dma2 semaphore(%run_scoped3A_457 : memref<!tpu.dma_semaphore, #tpu.memory_space<semaphore_mem>>) src(%arg12 : memref<1024x32xf32, #tpu.memory_space<vmem>>) dst(%dma_wait3A_465 : memref<1024x32xf32, #tpu.memory_space<hbm>>)
      tpu.yield
    }) : () -> ()
    return
  }
}

module attributes {stable_mosaic.version = 14 : i64} {
  func.func @_topk_body(%arg0: memref<64xi32, #tpu.memory_space<smem>>, %arg1: memref<64xi32, #tpu.memory_space<smem>>, %arg2: memref<1x8192xf32, #tpu.memory_space<vmem>>, %arg3: memref<1x8192xi32, #tpu.memory_space<vmem>>, %arg4: memref<8192x128xf32, #tpu.memory_space<vmem>>, %arg5: memref<8192x128xi32, #tpu.memory_space<vmem>>, %arg6: memref<1x32xi32, #tpu.memory_space<vmem>>, %arg7: memref<1x32xi32, #tpu.memory_space<vmem>>, %arg8: memref<4x8192xi32, #tpu.memory_space<vmem>>) attributes {dimension_semantics = [], scalar_prefetch = 0 : i64, scratch_operands = 0 : i64, tpu.core_type = #tpu.core_type<tc>} {
    %broadcast_in_dim3A = arith.constant 0x7F800000 : f32
    %broadcast_in_dim3A_0 = vector.broadcast %broadcast_in_dim3A : f32 to vector<1x128xf32>
    %broadcast_in_dim3A_1 = arith.constant 1073741824 : i32
    %broadcast_in_dim3A_2 = vector.broadcast %broadcast_in_dim3A_1 : i32 to vector<1x128xi32>
    %get3A = arith.constant 0 : index
    %get3A_3 = arith.constant 0 : index
    %get3A_4 = vector.load %arg6[%get3A, %get3A_3] : memref<1x32xi32, #tpu.memory_space<vmem>>, vector<1x32xi32>
    %get3A_5 = arith.constant 0 : index
    %get3A_6 = arith.constant 0 : index
    %get3A_7 = vector.load %arg7[%get3A_5, %get3A_6] : memref<1x32xi32, #tpu.memory_space<vmem>>, vector<1x32xi32>
    %scan3A = arith.constant 0x7F800000 : f32
    %scan3A_8 = arith.constant 0 : i32
    %scan3A_9 = arith.constant 64 : i32
    %scan3A_10 = arith.addi %scan3A_8, %scan3A_9 : i32
    %scan3A_11 = arith.constant 1 : i32
    scf.for %scan3A_13 = %scan3A_8 to %scan3A_10 step %scan3A_11  : i32 {
      %mul3A = arith.constant 128 : i32
      %mul3A_14 = arith.muli %scan3A_13, %mul3A : i32
      %multiple_of3A = tpu.assume_multiple %mul3A_14, 128 : i32
      %get3A_15 = arith.index_cast %scan3A_13 : i32 to index
      %get3A_16 = memref.load %arg0[%get3A_15] : memref<64xi32, #tpu.memory_space<smem>>
      %get3A_17 = arith.index_cast %scan3A_13 : i32 to index
      %get3A_18 = memref.load %arg1[%get3A_17] : memref<64xi32, #tpu.memory_space<smem>>
      %lt3A = vector.broadcast %get3A_16 : i32 to vector<1x32xi32>
      %lt3A_19 = arith.cmpi slt, %get3A_7, %lt3A : vector<1x32xi32>
      %convert_element_type3A = arith.extui %lt3A_19 : vector<1x32xi1> to vector<1x32xi32>
      %reduce_sum3A = vector.shape_cast %convert_element_type3A : vector<1x32xi32> to vector<1x1x32xi32>
      %reduce_sum3A_20 = arith.constant dense<0> : vector<1xi32>
      %reduce_sum3A_21 = vector.multi_reduction <add>, %reduce_sum3A, %reduce_sum3A_20 [1, 2] : vector<1x1x32xi32> to vector<1xi32>
      %reduce_sum3A_22 = vector.shape_cast %reduce_sum3A_21 : vector<1xi32> to vector<1x1x1xi32>
      %reduce_sum3A_23 = vector.extract %reduce_sum3A_22[0, 0, 0] : i32 from vector<1x1x1xi32>
      %le3A = vector.broadcast %get3A_18 : i32 to vector<1x32xi32>
      %le3A_24 = arith.cmpi sle, %get3A_4, %le3A : vector<1x32xi32>
      %convert_element_type3A_25 = arith.extui %le3A_24 : vector<1x32xi1> to vector<1x32xi32>
      %reduce_sum3A_26 = vector.shape_cast %convert_element_type3A_25 : vector<1x32xi32> to vector<1x1x32xi32>
      %reduce_sum3A_27 = arith.constant dense<0> : vector<1xi32>
      %reduce_sum3A_28 = vector.multi_reduction <add>, %reduce_sum3A_26, %reduce_sum3A_27 [1, 2] : vector<1x1x32xi32> to vector<1xi32>
      %reduce_sum3A_29 = vector.shape_cast %reduce_sum3A_28 : vector<1xi32> to vector<1x1x1xi32>
      %reduce_sum3A_30 = vector.extract %reduce_sum3A_29[0, 0, 0] : i32 from vector<1x1x1xi32>
      %mul3A_31 = arith.constant 256 : i32
      %mul3A_32 = arith.muli %reduce_sum3A_23, %mul3A_31 : i32
      %sub3A = arith.subi %reduce_sum3A_30, %reduce_sum3A_23 : i32
      %get3A_33 = arith.constant 0 : index
      %get3A_34 = arith.index_cast %multiple_of3A : i32 to index
      %get3A_35 = vector.load %arg2[%get3A_33, %get3A_34] : memref<1x8192xf32, #tpu.memory_space<vmem>>, vector<1x128xf32>
      %get3A_36 = arith.constant 0 : index
      %get3A_37 = arith.index_cast %multiple_of3A : i32 to index
      %get3A_38 = vector.load %arg3[%get3A_36, %get3A_37] : memref<1x8192xi32, #tpu.memory_space<vmem>>, vector<1x128xi32>
      %iota3A = tpu.iota {dimensions = array<i32: 1>} : vector<1x128xi32>
      %add3A = vector.broadcast %multiple_of3A : i32 to vector<1x128xi32>
      %add3A_39 = arith.addi %add3A, %iota3A : vector<1x128xi32>
      %while3A = arith.constant 0 : i32
      %while3A_40 = arith.subi %sub3A, %while3A : i32
      %while3A_41 = arith.addi %while3A, %while3A_40 : i32
      %while3A_42 = arith.constant 1 : i32
      %while3A_43 = arith.divsi %while3A_40, %while3A_42 : i32
      %while3A_44 = arith.muli %while3A_43, %while3A_42 : i32
      %while3A_45 = arith.addi %while3A, %while3A_44 : i32
      %while3A_46 = arith.constant 1 : i32
      %while3A_47:8 = scf.for %while3A_130 = %while3A to %while3A_45 step %while3A_46 iter_args(%while3A_131 = %broadcast_in_dim3A_0, %while3A_132 = %broadcast_in_dim3A_0, %while3A_133 = %broadcast_in_dim3A_0, %while3A_134 = %broadcast_in_dim3A_0, %while3A_135 = %broadcast_in_dim3A_2, %while3A_136 = %broadcast_in_dim3A_2, %while3A_137 = %broadcast_in_dim3A_2, %while3A_138 = %broadcast_in_dim3A_2) -> (vector<1x128xf32>, vector<1x128xf32>, vector<1x128xf32>, vector<1x128xf32>, vector<1x128xi32>, vector<1x128xi32>, vector<1x128xi32>, vector<1x128xi32>)  : i32 {
        %mul3A_139 = arith.constant 256 : i32
        %mul3A_140 = arith.muli %while3A_130, %mul3A_139 : i32
        %add3A_141 = arith.addi %mul3A_32, %mul3A_140 : i32
        %multiple_of3A_142 = tpu.assume_multiple %add3A_141, 256 : i32
        %add3A_143 = arith.constant 0 : i32
        %add3A_144 = arith.addi %multiple_of3A_142, %add3A_143 : i32
        %multiple_of3A_145 = tpu.assume_multiple %add3A_144, 128 : i32
        %get3A_146 = arith.index_cast %multiple_of3A_145 : i32 to index
        %get3A_147 = arith.constant 0 : index
        %get3A_148 = vector.load %arg4[%get3A_146, %get3A_147] : memref<8192x128xf32, #tpu.memory_space<vmem>>, vector<128x128xf32>
        %get3A_149 = arith.index_cast %multiple_of3A_145 : i32 to index
        %get3A_150 = arith.constant 0 : index
        %get3A_151 = vector.load %arg5[%get3A_149, %get3A_150] : memref<8192x128xi32, #tpu.memory_space<vmem>>, vector<128x128xi32>
        %iota3A_152 = tpu.iota {dimensions = array<i32: 0>} : vector<128x128xi32>
        %add3A_153 = vector.broadcast %multiple_of3A_145 : i32 to vector<128x128xi32>
        %add3A_154 = arith.addi %add3A_153, %iota3A_152 : vector<128x128xi32>
        %eq3A_155 = vector.broadcast %get3A_38 : vector<1x128xi32> to vector<128x128xi32>
        %eq3A_156 = arith.cmpi eq, %get3A_151, %eq3A_155 : vector<128x128xi32>
        %ne3A = vector.broadcast %add3A_39 : vector<1x128xi32> to vector<128x128xi32>
        %ne3A_157 = arith.cmpi ne, %add3A_154, %ne3A : vector<128x128xi32>
        %and3A_158 = arith.andi %eq3A_156, %ne3A_157 : vector<128x128xi1>
        %sub3A_159 = vector.broadcast %get3A_35 : vector<1x128xf32> to vector<128x128xf32>
        %sub3A_160 = arith.subf %get3A_148, %sub3A_159 : vector<128x128xf32>
        %abs3A = math.absf %sub3A_160 : vector<128x128xf32>
        %broadcast_in_dim3A_161 = vector.broadcast %scan3A : f32 to vector<128x128xf32>
        %select_n3A_162 = arith.select %and3A_158, %abs3A, %broadcast_in_dim3A_161 : vector<128x128xi1>, vector<128x128xf32>
        %reduce_min3A = arith.constant dense<0x7F800000> : vector<128xf32>
        %reduce_min3A_163 = vector.multi_reduction <minimumf>, %select_n3A_162, %reduce_min3A [0] : vector<128x128xf32> to vector<128xf32>
        %broadcast_in_dim3A_164 = vector.shape_cast %reduce_min3A_163 : vector<128xf32> to vector<1x128xf32>
        %eq3A_165 = vector.broadcast %broadcast_in_dim3A_164 : vector<1x128xf32> to vector<128x128xf32>
        %eq3A_166 = arith.cmpf oeq, %select_n3A_162, %eq3A_165 : vector<128x128xf32>
        %jit3A_167 = arith.constant 1073741824 : i32
        %broadcast_in_dim3A_168 = vector.broadcast %jit3A_167 : i32 to vector<128x128xi32>
        %select_n3A_169 = arith.select %eq3A_166, %add3A_154, %broadcast_in_dim3A_168 : vector<128x128xi1>, vector<128x128xi32>
        %reduce_min3A_170 = arith.constant dense<2147483647> : vector<128xi32>
        %reduce_min3A_171 = vector.multi_reduction <minsi>, %select_n3A_169, %reduce_min3A_170 [0] : vector<128x128xi32> to vector<128xi32>
        %broadcast_in_dim3A_172 = vector.shape_cast %reduce_min3A_171 : vector<128xi32> to vector<1x128xi32>
        %eq3A_173 = vector.broadcast %broadcast_in_dim3A_172 : vector<1x128xi32> to vector<128x128xi32>
        %eq3A_174 = arith.cmpi eq, %add3A_154, %eq3A_173 : vector<128x128xi32>
        %broadcast_in_dim3A_175 = vector.broadcast %scan3A : f32 to vector<128x128xf32>
        %select_n3A_176 = arith.select %eq3A_174, %broadcast_in_dim3A_175, %select_n3A_162 : vector<128x128xi1>, vector<128x128xf32>
        %reduce_min3A_177 = arith.constant dense<0x7F800000> : vector<128xf32>
        %reduce_min3A_178 = vector.multi_reduction <minimumf>, %select_n3A_176, %reduce_min3A_177 [0] : vector<128x128xf32> to vector<128xf32>
        %broadcast_in_dim3A_179 = vector.shape_cast %reduce_min3A_178 : vector<128xf32> to vector<1x128xf32>
        %eq3A_180 = vector.broadcast %broadcast_in_dim3A_179 : vector<1x128xf32> to vector<128x128xf32>
        %eq3A_181 = arith.cmpf oeq, %select_n3A_176, %eq3A_180 : vector<128x128xf32>
        %jit3A_182 = arith.constant 1073741824 : i32
        %broadcast_in_dim3A_183 = vector.broadcast %jit3A_182 : i32 to vector<128x128xi32>
        %select_n3A_184 = arith.select %eq3A_181, %add3A_154, %broadcast_in_dim3A_183 : vector<128x128xi1>, vector<128x128xi32>
        %reduce_min3A_185 = arith.constant dense<2147483647> : vector<128xi32>
        %reduce_min3A_186 = vector.multi_reduction <minsi>, %select_n3A_184, %reduce_min3A_185 [0] : vector<128x128xi32> to vector<128xi32>
        %broadcast_in_dim3A_187 = vector.shape_cast %reduce_min3A_186 : vector<128xi32> to vector<1x128xi32>
        %eq3A_188 = vector.broadcast %broadcast_in_dim3A_187 : vector<1x128xi32> to vector<128x128xi32>
        %eq3A_189 = arith.cmpi eq, %add3A_154, %eq3A_188 : vector<128x128xi32>
        %broadcast_in_dim3A_190 = vector.broadcast %scan3A : f32 to vector<128x128xf32>
        %select_n3A_191 = arith.select %eq3A_189, %broadcast_in_dim3A_190, %select_n3A_176 : vector<128x128xi1>, vector<128x128xf32>
        %reduce_min3A_192 = arith.constant dense<0x7F800000> : vector<128xf32>
        %reduce_min3A_193 = vector.multi_reduction <minimumf>, %select_n3A_191, %reduce_min3A_192 [0] : vector<128x128xf32> to vector<128xf32>
        %broadcast_in_dim3A_194 = vector.shape_cast %reduce_min3A_193 : vector<128xf32> to vector<1x128xf32>
        %eq3A_195 = vector.broadcast %broadcast_in_dim3A_194 : vector<1x128xf32> to vector<128x128xf32>
        %eq3A_196 = arith.cmpf oeq, %select_n3A_191, %eq3A_195 : vector<128x128xf32>
        %jit3A_197 = arith.constant 1073741824 : i32
        %broadcast_in_dim3A_198 = vector.broadcast %jit3A_197 : i32 to vector<128x128xi32>
        %select_n3A_199 = arith.select %eq3A_196, %add3A_154, %broadcast_in_dim3A_198 : vector<128x128xi1>, vector<128x128xi32>
        %reduce_min3A_200 = arith.constant dense<2147483647> : vector<128xi32>
        %reduce_min3A_201 = vector.multi_reduction <minsi>, %select_n3A_199, %reduce_min3A_200 [0] : vector<128x128xi32> to vector<128xi32>
        %broadcast_in_dim3A_202 = vector.shape_cast %reduce_min3A_201 : vector<128xi32> to vector<1x128xi32>
        %eq3A_203 = vector.broadcast %broadcast_in_dim3A_202 : vector<1x128xi32> to vector<128x128xi32>
        %eq3A_204 = arith.cmpi eq, %add3A_154, %eq3A_203 : vector<128x128xi32>
        %broadcast_in_dim3A_205 = vector.broadcast %scan3A : f32 to vector<128x128xf32>
        %select_n3A_206 = arith.select %eq3A_204, %broadcast_in_dim3A_205, %select_n3A_191 : vector<128x128xi1>, vector<128x128xf32>
        %reduce_min3A_207 = arith.constant dense<0x7F800000> : vector<128xf32>
        %reduce_min3A_208 = vector.multi_reduction <minimumf>, %select_n3A_206, %reduce_min3A_207 [0] : vector<128x128xf32> to vector<128xf32>
        %broadcast_in_dim3A_209 = vector.shape_cast %reduce_min3A_208 : vector<128xf32> to vector<1x128xf32>
        %eq3A_210 = vector.broadcast %broadcast_in_dim3A_209 : vector<1x128xf32> to vector<128x128xf32>
        %eq3A_211 = arith.cmpf oeq, %select_n3A_206, %eq3A_210 : vector<128x128xf32>
        %jit3A_212 = arith.constant 1073741824 : i32
        %broadcast_in_dim3A_213 = vector.broadcast %jit3A_212 : i32 to vector<128x128xi32>
        %select_n3A_214 = arith.select %eq3A_211, %add3A_154, %broadcast_in_dim3A_213 : vector<128x128xi1>, vector<128x128xi32>
        %reduce_min3A_215 = arith.constant dense<2147483647> : vector<128xi32>
        %reduce_min3A_216 = vector.multi_reduction <minsi>, %select_n3A_214, %reduce_min3A_215 [0] : vector<128x128xi32> to vector<128xi32>
        %broadcast_in_dim3A_217 = vector.shape_cast %reduce_min3A_216 : vector<128xi32> to vector<1x128xi32>
        %add3A_218 = arith.constant 128 : i32
        %add3A_219 = arith.addi %multiple_of3A_142, %add3A_218 : i32
        %multiple_of3A_220 = tpu.assume_multiple %add3A_219, 128 : i32
        %get3A_221 = arith.index_cast %multiple_of3A_220 : i32 to index
        %get3A_222 = arith.constant 0 : index
        %get3A_223 = vector.load %arg4[%get3A_221, %get3A_222] : memref<8192x128xf32, #tpu.memory_space<vmem>>, vector<128x128xf32>
        %get3A_224 = arith.index_cast %multiple_of3A_220 : i32 to index
        %get3A_225 = arith.constant 0 : index
        %get3A_226 = vector.load %arg5[%get3A_224, %get3A_225] : memref<8192x128xi32, #tpu.memory_space<vmem>>, vector<128x128xi32>
        %iota3A_227 = tpu.iota {dimensions = array<i32: 0>} : vector<128x128xi32>
        %add3A_228 = vector.broadcast %multiple_of3A_220 : i32 to vector<128x128xi32>
        %add3A_229 = arith.addi %add3A_228, %iota3A_227 : vector<128x128xi32>
        %eq3A_230 = vector.broadcast %get3A_38 : vector<1x128xi32> to vector<128x128xi32>
        %eq3A_231 = arith.cmpi eq, %get3A_226, %eq3A_230 : vector<128x128xi32>
        %ne3A_232 = vector.broadcast %add3A_39 : vector<1x128xi32> to vector<128x128xi32>
        %ne3A_233 = arith.cmpi ne, %add3A_229, %ne3A_232 : vector<128x128xi32>
        %and3A_234 = arith.andi %eq3A_231, %ne3A_233 : vector<128x128xi1>
        %sub3A_235 = vector.broadcast %get3A_35 : vector<1x128xf32> to vector<128x128xf32>
        %sub3A_236 = arith.subf %get3A_223, %sub3A_235 : vector<128x128xf32>
        %abs3A_237 = math.absf %sub3A_236 : vector<128x128xf32>
        %broadcast_in_dim3A_238 = vector.broadcast %scan3A : f32 to vector<128x128xf32>
        %select_n3A_239 = arith.select %and3A_234, %abs3A_237, %broadcast_in_dim3A_238 : vector<128x128xi1>, vector<128x128xf32>
        %reduce_min3A_240 = arith.constant dense<0x7F800000> : vector<128xf32>
        %reduce_min3A_241 = vector.multi_reduction <minimumf>, %select_n3A_239, %reduce_min3A_240 [0] : vector<128x128xf32> to vector<128xf32>
        %broadcast_in_dim3A_242 = vector.shape_cast %reduce_min3A_241 : vector<128xf32> to vector<1x128xf32>
        %eq3A_243 = vector.broadcast %broadcast_in_dim3A_242 : vector<1x128xf32> to vector<128x128xf32>
        %eq3A_244 = arith.cmpf oeq, %select_n3A_239, %eq3A_243 : vector<128x128xf32>
        %jit3A_245 = arith.constant 1073741824 : i32
        %broadcast_in_dim3A_246 = vector.broadcast %jit3A_245 : i32 to vector<128x128xi32>
        %select_n3A_247 = arith.select %eq3A_244, %add3A_229, %broadcast_in_dim3A_246 : vector<128x128xi1>, vector<128x128xi32>
        %reduce_min3A_248 = arith.constant dense<2147483647> : vector<128xi32>
        %reduce_min3A_249 = vector.multi_reduction <minsi>, %select_n3A_247, %reduce_min3A_248 [0] : vector<128x128xi32> to vector<128xi32>
        %broadcast_in_dim3A_250 = vector.shape_cast %reduce_min3A_249 : vector<128xi32> to vector<1x128xi32>
        %eq3A_251 = vector.broadcast %broadcast_in_dim3A_250 : vector<1x128xi32> to vector<128x128xi32>
        %eq3A_252 = arith.cmpi eq, %add3A_229, %eq3A_251 : vector<128x128xi32>
        %broadcast_in_dim3A_253 = vector.broadcast %scan3A : f32 to vector<128x128xf32>
        %select_n3A_254 = arith.select %eq3A_252, %broadcast_in_dim3A_253, %select_n3A_239 : vector<128x128xi1>, vector<128x128xf32>
        %reduce_min3A_255 = arith.constant dense<0x7F800000> : vector<128xf32>
        %reduce_min3A_256 = vector.multi_reduction <minimumf>, %select_n3A_254, %reduce_min3A_255 [0] : vector<128x128xf32> to vector<128xf32>
        %broadcast_in_dim3A_257 = vector.shape_cast %reduce_min3A_256 : vector<128xf32> to vector<1x128xf32>
        %eq3A_258 = vector.broadcast %broadcast_in_dim3A_257 : vector<1x128xf32> to vector<128x128xf32>
        %eq3A_259 = arith.cmpf oeq, %select_n3A_254, %eq3A_258 : vector<128x128xf32>
        %jit3A_260 = arith.constant 1073741824 : i32
        %broadcast_in_dim3A_261 = vector.broadcast %jit3A_260 : i32 to vector<128x128xi32>
        %select_n3A_262 = arith.select %eq3A_259, %add3A_229, %broadcast_in_dim3A_261 : vector<128x128xi1>, vector<128x128xi32>
        %reduce_min3A_263 = arith.constant dense<2147483647> : vector<128xi32>
        %reduce_min3A_264 = vector.multi_reduction <minsi>, %select_n3A_262, %reduce_min3A_263 [0] : vector<128x128xi32> to vector<128xi32>
        %broadcast_in_dim3A_265 = vector.shape_cast %reduce_min3A_264 : vector<128xi32> to vector<1x128xi32>
        %eq3A_266 = vector.broadcast %broadcast_in_dim3A_265 : vector<1x128xi32> to vector<128x128xi32>
        %eq3A_267 = arith.cmpi eq, %add3A_229, %eq3A_266 : vector<128x128xi32>
        %broadcast_in_dim3A_268 = vector.broadcast %scan3A : f32 to vector<128x128xf32>
        %select_n3A_269 = arith.select %eq3A_267, %broadcast_in_dim3A_268, %select_n3A_254 : vector<128x128xi1>, vector<128x128xf32>
        %reduce_min3A_270 = arith.constant dense<0x7F800000> : vector<128xf32>
        %reduce_min3A_271 = vector.multi_reduction <minimumf>, %select_n3A_269, %reduce_min3A_270 [0] : vector<128x128xf32> to vector<128xf32>
        %broadcast_in_dim3A_272 = vector.shape_cast %reduce_min3A_271 : vector<128xf32> to vector<1x128xf32>
        %eq3A_273 = vector.broadcast %broadcast_in_dim3A_272 : vector<1x128xf32> to vector<128x128xf32>
        %eq3A_274 = arith.cmpf oeq, %select_n3A_269, %eq3A_273 : vector<128x128xf32>
        %jit3A_275 = arith.constant 1073741824 : i32
        %broadcast_in_dim3A_276 = vector.broadcast %jit3A_275 : i32 to vector<128x128xi32>
        %select_n3A_277 = arith.select %eq3A_274, %add3A_229, %broadcast_in_dim3A_276 : vector<128x128xi1>, vector<128x128xi32>
        %reduce_min3A_278 = arith.constant dense<2147483647> : vector<128xi32>
        %reduce_min3A_279 = vector.multi_reduction <minsi>, %select_n3A_277, %reduce_min3A_278 [0] : vector<128x128xi32> to vector<128xi32>
        %broadcast_in_dim3A_280 = vector.shape_cast %reduce_min3A_279 : vector<128xi32> to vector<1x128xi32>
        %eq3A_281 = vector.broadcast %broadcast_in_dim3A_280 : vector<1x128xi32> to vector<128x128xi32>
        %eq3A_282 = arith.cmpi eq, %add3A_229, %eq3A_281 : vector<128x128xi32>
        %broadcast_in_dim3A_283 = vector.broadcast %scan3A : f32 to vector<128x128xf32>
        %select_n3A_284 = arith.select %eq3A_282, %broadcast_in_dim3A_283, %select_n3A_269 : vector<128x128xi1>, vector<128x128xf32>
        %reduce_min3A_285 = arith.constant dense<0x7F800000> : vector<128xf32>
        %reduce_min3A_286 = vector.multi_reduction <minimumf>, %select_n3A_284, %reduce_min3A_285 [0] : vector<128x128xf32> to vector<128xf32>
        %broadcast_in_dim3A_287 = vector.shape_cast %reduce_min3A_286 : vector<128xf32> to vector<1x128xf32>
        %eq3A_288 = vector.broadcast %broadcast_in_dim3A_287 : vector<1x128xf32> to vector<128x128xf32>
        %eq3A_289 = arith.cmpf oeq, %select_n3A_284, %eq3A_288 : vector<128x128xf32>
        %jit3A_290 = arith.constant 1073741824 : i32
        %broadcast_in_dim3A_291 = vector.broadcast %jit3A_290 : i32 to vector<128x128xi32>
        %select_n3A_292 = arith.select %eq3A_289, %add3A_229, %broadcast_in_dim3A_291 : vector<128x128xi1>, vector<128x128xi32>
        %reduce_min3A_293 = arith.constant dense<2147483647> : vector<128xi32>
        %reduce_min3A_294 = vector.multi_reduction <minsi>, %select_n3A_292, %reduce_min3A_293 [0] : vector<128x128xi32> to vector<128xi32>
        %broadcast_in_dim3A_295 = vector.shape_cast %reduce_min3A_294 : vector<128xi32> to vector<1x128xi32>
        %lt3A_296 = arith.cmpf olt, %broadcast_in_dim3A_164, %broadcast_in_dim3A_287 : vector<1x128xf32>
        %eq3A_297 = arith.cmpf oeq, %broadcast_in_dim3A_164, %broadcast_in_dim3A_287 : vector<1x128xf32>
        %lt3A_298 = arith.cmpi slt, %broadcast_in_dim3A_172, %broadcast_in_dim3A_295 : vector<1x128xi32>
        %and3A_299 = arith.andi %eq3A_297, %lt3A_298 : vector<1x128xi1>
        %or3A_300 = arith.ori %lt3A_296, %and3A_299 : vector<1x128xi1>
        %select_n3A_301 = arith.select %or3A_300, %broadcast_in_dim3A_164, %broadcast_in_dim3A_287 : vector<1x128xi1>, vector<1x128xf32>
        %select_n3A_302 = arith.select %or3A_300, %broadcast_in_dim3A_172, %broadcast_in_dim3A_295 : vector<1x128xi1>, vector<1x128xi32>
        %lt3A_303 = arith.cmpf olt, %broadcast_in_dim3A_179, %broadcast_in_dim3A_272 : vector<1x128xf32>
        %eq3A_304 = arith.cmpf oeq, %broadcast_in_dim3A_179, %broadcast_in_dim3A_272 : vector<1x128xf32>
        %lt3A_305 = arith.cmpi slt, %broadcast_in_dim3A_187, %broadcast_in_dim3A_280 : vector<1x128xi32>
        %and3A_306 = arith.andi %eq3A_304, %lt3A_305 : vector<1x128xi1>
        %or3A_307 = arith.ori %lt3A_303, %and3A_306 : vector<1x128xi1>
        %select_n3A_308 = arith.select %or3A_307, %broadcast_in_dim3A_179, %broadcast_in_dim3A_272 : vector<1x128xi1>, vector<1x128xf32>
        %select_n3A_309 = arith.select %or3A_307, %broadcast_in_dim3A_187, %broadcast_in_dim3A_280 : vector<1x128xi1>, vector<1x128xi32>
        %lt3A_310 = arith.cmpf olt, %broadcast_in_dim3A_194, %broadcast_in_dim3A_257 : vector<1x128xf32>
        %eq3A_311 = arith.cmpf oeq, %broadcast_in_dim3A_194, %broadcast_in_dim3A_257 : vector<1x128xf32>
        %lt3A_312 = arith.cmpi slt, %broadcast_in_dim3A_202, %broadcast_in_dim3A_265 : vector<1x128xi32>
        %and3A_313 = arith.andi %eq3A_311, %lt3A_312 : vector<1x128xi1>
        %or3A_314 = arith.ori %lt3A_310, %and3A_313 : vector<1x128xi1>
        %select_n3A_315 = arith.select %or3A_314, %broadcast_in_dim3A_194, %broadcast_in_dim3A_257 : vector<1x128xi1>, vector<1x128xf32>
        %select_n3A_316 = arith.select %or3A_314, %broadcast_in_dim3A_202, %broadcast_in_dim3A_265 : vector<1x128xi1>, vector<1x128xi32>
        %lt3A_317 = arith.cmpf olt, %broadcast_in_dim3A_209, %broadcast_in_dim3A_242 : vector<1x128xf32>
        %eq3A_318 = arith.cmpf oeq, %broadcast_in_dim3A_209, %broadcast_in_dim3A_242 : vector<1x128xf32>
        %lt3A_319 = arith.cmpi slt, %broadcast_in_dim3A_217, %broadcast_in_dim3A_250 : vector<1x128xi32>
        %and3A_320 = arith.andi %eq3A_318, %lt3A_319 : vector<1x128xi1>
        %or3A_321 = arith.ori %lt3A_317, %and3A_320 : vector<1x128xi1>
        %select_n3A_322 = arith.select %or3A_321, %broadcast_in_dim3A_209, %broadcast_in_dim3A_242 : vector<1x128xi1>, vector<1x128xf32>
        %select_n3A_323 = arith.select %or3A_321, %broadcast_in_dim3A_217, %broadcast_in_dim3A_250 : vector<1x128xi1>, vector<1x128xi32>
        %lt3A_324 = arith.cmpf olt, %select_n3A_301, %select_n3A_315 : vector<1x128xf32>
        %eq3A_325 = arith.cmpf oeq, %select_n3A_301, %select_n3A_315 : vector<1x128xf32>
        %lt3A_326 = arith.cmpi slt, %select_n3A_302, %select_n3A_316 : vector<1x128xi32>
        %and3A_327 = arith.andi %eq3A_325, %lt3A_326 : vector<1x128xi1>
        %or3A_328 = arith.ori %lt3A_324, %and3A_327 : vector<1x128xi1>
        %select_n3A_329 = arith.select %or3A_328, %select_n3A_301, %select_n3A_315 : vector<1x128xi1>, vector<1x128xf32>
        %select_n3A_330 = arith.select %or3A_328, %select_n3A_302, %select_n3A_316 : vector<1x128xi1>, vector<1x128xi32>
        %select_n3A_331 = arith.select %or3A_328, %select_n3A_315, %select_n3A_301 : vector<1x128xi1>, vector<1x128xf32>
        %select_n3A_332 = arith.select %or3A_328, %select_n3A_316, %select_n3A_302 : vector<1x128xi1>, vector<1x128xi32>
        %lt3A_333 = arith.cmpf olt, %select_n3A_308, %select_n3A_322 : vector<1x128xf32>
        %eq3A_334 = arith.cmpf oeq, %select_n3A_308, %select_n3A_322 : vector<1x128xf32>
        %lt3A_335 = arith.cmpi slt, %select_n3A_309, %select_n3A_323 : vector<1x128xi32>
        %and3A_336 = arith.andi %eq3A_334, %lt3A_335 : vector<1x128xi1>
        %or3A_337 = arith.ori %lt3A_333, %and3A_336 : vector<1x128xi1>
        %select_n3A_338 = arith.select %or3A_337, %select_n3A_308, %select_n3A_322 : vector<1x128xi1>, vector<1x128xf32>
        %select_n3A_339 = arith.select %or3A_337, %select_n3A_309, %select_n3A_323 : vector<1x128xi1>, vector<1x128xi32>
        %select_n3A_340 = arith.select %or3A_337, %select_n3A_322, %select_n3A_308 : vector<1x128xi1>, vector<1x128xf32>
        %select_n3A_341 = arith.select %or3A_337, %select_n3A_323, %select_n3A_309 : vector<1x128xi1>, vector<1x128xi32>
        %lt3A_342 = arith.cmpf olt, %select_n3A_329, %select_n3A_338 : vector<1x128xf32>
        %eq3A_343 = arith.cmpf oeq, %select_n3A_329, %select_n3A_338 : vector<1x128xf32>
        %lt3A_344 = arith.cmpi slt, %select_n3A_330, %select_n3A_339 : vector<1x128xi32>
        %and3A_345 = arith.andi %eq3A_343, %lt3A_344 : vector<1x128xi1>
        %or3A_346 = arith.ori %lt3A_342, %and3A_345 : vector<1x128xi1>
        %select_n3A_347 = arith.select %or3A_346, %select_n3A_329, %select_n3A_338 : vector<1x128xi1>, vector<1x128xf32>
        %select_n3A_348 = arith.select %or3A_346, %select_n3A_330, %select_n3A_339 : vector<1x128xi1>, vector<1x128xi32>
        %select_n3A_349 = arith.select %or3A_346, %select_n3A_338, %select_n3A_329 : vector<1x128xi1>, vector<1x128xf32>
        %select_n3A_350 = arith.select %or3A_346, %select_n3A_339, %select_n3A_330 : vector<1x128xi1>, vector<1x128xi32>
        %lt3A_351 = arith.cmpf olt, %select_n3A_331, %select_n3A_340 : vector<1x128xf32>
        %eq3A_352 = arith.cmpf oeq, %select_n3A_331, %select_n3A_340 : vector<1x128xf32>
        %lt3A_353 = arith.cmpi slt, %select_n3A_332, %select_n3A_341 : vector<1x128xi32>
        %and3A_354 = arith.andi %eq3A_352, %lt3A_353 : vector<1x128xi1>
        %or3A_355 = arith.ori %lt3A_351, %and3A_354 : vector<1x128xi1>
        %select_n3A_356 = arith.select %or3A_355, %select_n3A_331, %select_n3A_340 : vector<1x128xi1>, vector<1x128xf32>
        %select_n3A_357 = arith.select %or3A_355, %select_n3A_332, %select_n3A_341 : vector<1x128xi1>, vector<1x128xi32>
        %select_n3A_358 = arith.select %or3A_355, %select_n3A_340, %select_n3A_331 : vector<1x128xi1>, vector<1x128xf32>
        %select_n3A_359 = arith.select %or3A_355, %select_n3A_341, %select_n3A_332 : vector<1x128xi1>, vector<1x128xi32>
        %lt3A_360 = arith.cmpf olt, %while3A_131, %select_n3A_358 : vector<1x128xf32>
        %eq3A_361 = arith.cmpf oeq, %while3A_131, %select_n3A_358 : vector<1x128xf32>
        %lt3A_362 = arith.cmpi slt, %while3A_135, %select_n3A_359 : vector<1x128xi32>
        %and3A_363 = arith.andi %eq3A_361, %lt3A_362 : vector<1x128xi1>
        %or3A_364 = arith.ori %lt3A_360, %and3A_363 : vector<1x128xi1>
        %select_n3A_365 = arith.select %or3A_364, %while3A_131, %select_n3A_358 : vector<1x128xi1>, vector<1x128xf32>
        %select_n3A_366 = arith.select %or3A_364, %while3A_135, %select_n3A_359 : vector<1x128xi1>, vector<1x128xi32>
        %lt3A_367 = arith.cmpf olt, %while3A_132, %select_n3A_356 : vector<1x128xf32>
        %eq3A_368 = arith.cmpf oeq, %while3A_132, %select_n3A_356 : vector<1x128xf32>
        %lt3A_369 = arith.cmpi slt, %while3A_136, %select_n3A_357 : vector<1x128xi32>
        %and3A_370 = arith.andi %eq3A_368, %lt3A_369 : vector<1x128xi1>
        %or3A_371 = arith.ori %lt3A_367, %and3A_370 : vector<1x128xi1>
        %select_n3A_372 = arith.select %or3A_371, %while3A_132, %select_n3A_356 : vector<1x128xi1>, vector<1x128xf32>
        %select_n3A_373 = arith.select %or3A_371, %while3A_136, %select_n3A_357 : vector<1x128xi1>, vector<1x128xi32>
        %lt3A_374 = arith.cmpf olt, %while3A_133, %select_n3A_349 : vector<1x128xf32>
        %eq3A_375 = arith.cmpf oeq, %while3A_133, %select_n3A_349 : vector<1x128xf32>
        %lt3A_376 = arith.cmpi slt, %while3A_137, %select_n3A_350 : vector<1x128xi32>
        %and3A_377 = arith.andi %eq3A_375, %lt3A_376 : vector<1x128xi1>
        %or3A_378 = arith.ori %lt3A_374, %and3A_377 : vector<1x128xi1>
        %select_n3A_379 = arith.select %or3A_378, %while3A_133, %select_n3A_349 : vector<1x128xi1>, vector<1x128xf32>
        %select_n3A_380 = arith.select %or3A_378, %while3A_137, %select_n3A_350 : vector<1x128xi1>, vector<1x128xi32>
        %lt3A_381 = arith.cmpf olt, %while3A_134, %select_n3A_347 : vector<1x128xf32>
        %eq3A_382 = arith.cmpf oeq, %while3A_134, %select_n3A_347 : vector<1x128xf32>
        %lt3A_383 = arith.cmpi slt, %while3A_138, %select_n3A_348 : vector<1x128xi32>
        %and3A_384 = arith.andi %eq3A_382, %lt3A_383 : vector<1x128xi1>
        %or3A_385 = arith.ori %lt3A_381, %and3A_384 : vector<1x128xi1>
        %select_n3A_386 = arith.select %or3A_385, %while3A_134, %select_n3A_347 : vector<1x128xi1>, vector<1x128xf32>
        %select_n3A_387 = arith.select %or3A_385, %while3A_138, %select_n3A_348 : vector<1x128xi1>, vector<1x128xi32>
        %lt3A_388 = arith.cmpf olt, %select_n3A_365, %select_n3A_379 : vector<1x128xf32>
        %eq3A_389 = arith.cmpf oeq, %select_n3A_365, %select_n3A_379 : vector<1x128xf32>
        %lt3A_390 = arith.cmpi slt, %select_n3A_366, %select_n3A_380 : vector<1x128xi32>
        %and3A_391 = arith.andi %eq3A_389, %lt3A_390 : vector<1x128xi1>
        %or3A_392 = arith.ori %lt3A_388, %and3A_391 : vector<1x128xi1>
        %select_n3A_393 = arith.select %or3A_392, %select_n3A_365, %select_n3A_379 : vector<1x128xi1>, vector<1x128xf32>
        %select_n3A_394 = arith.select %or3A_392, %select_n3A_366, %select_n3A_380 : vector<1x128xi1>, vector<1x128xi32>
        %select_n3A_395 = arith.select %or3A_392, %select_n3A_379, %select_n3A_365 : vector<1x128xi1>, vector<1x128xf32>
        %select_n3A_396 = arith.select %or3A_392, %select_n3A_380, %select_n3A_366 : vector<1x128xi1>, vector<1x128xi32>
        %lt3A_397 = arith.cmpf olt, %select_n3A_372, %select_n3A_386 : vector<1x128xf32>
        %eq3A_398 = arith.cmpf oeq, %select_n3A_372, %select_n3A_386 : vector<1x128xf32>
        %lt3A_399 = arith.cmpi slt, %select_n3A_373, %select_n3A_387 : vector<1x128xi32>
        %and3A_400 = arith.andi %eq3A_398, %lt3A_399 : vector<1x128xi1>
        %or3A_401 = arith.ori %lt3A_397, %and3A_400 : vector<1x128xi1>
        %select_n3A_402 = arith.select %or3A_401, %select_n3A_372, %select_n3A_386 : vector<1x128xi1>, vector<1x128xf32>
        %select_n3A_403 = arith.select %or3A_401, %select_n3A_373, %select_n3A_387 : vector<1x128xi1>, vector<1x128xi32>
        %select_n3A_404 = arith.select %or3A_401, %select_n3A_386, %select_n3A_372 : vector<1x128xi1>, vector<1x128xf32>
        %select_n3A_405 = arith.select %or3A_401, %select_n3A_387, %select_n3A_373 : vector<1x128xi1>, vector<1x128xi32>
        %lt3A_406 = arith.cmpf olt, %select_n3A_393, %select_n3A_402 : vector<1x128xf32>
        %eq3A_407 = arith.cmpf oeq, %select_n3A_393, %select_n3A_402 : vector<1x128xf32>
        %lt3A_408 = arith.cmpi slt, %select_n3A_394, %select_n3A_403 : vector<1x128xi32>
        %and3A_409 = arith.andi %eq3A_407, %lt3A_408 : vector<1x128xi1>
        %or3A_410 = arith.ori %lt3A_406, %and3A_409 : vector<1x128xi1>
        %select_n3A_411 = arith.select %or3A_410, %select_n3A_393, %select_n3A_402 : vector<1x128xi1>, vector<1x128xf32>
        %select_n3A_412 = arith.select %or3A_410, %select_n3A_394, %select_n3A_403 : vector<1x128xi1>, vector<1x128xi32>
        %select_n3A_413 = arith.select %or3A_410, %select_n3A_402, %select_n3A_393 : vector<1x128xi1>, vector<1x128xf32>
        %select_n3A_414 = arith.select %or3A_410, %select_n3A_403, %select_n3A_394 : vector<1x128xi1>, vector<1x128xi32>
        %lt3A_415 = arith.cmpf olt, %select_n3A_395, %select_n3A_404 : vector<1x128xf32>
        %eq3A_416 = arith.cmpf oeq, %select_n3A_395, %select_n3A_404 : vector<1x128xf32>
        %lt3A_417 = arith.cmpi slt, %select_n3A_396, %select_n3A_405 : vector<1x128xi32>
        %and3A_418 = arith.andi %eq3A_416, %lt3A_417 : vector<1x128xi1>
        %or3A_419 = arith.ori %lt3A_415, %and3A_418 : vector<1x128xi1>
        %select_n3A_420 = arith.select %or3A_419, %select_n3A_395, %select_n3A_404 : vector<1x128xi1>, vector<1x128xf32>
        %select_n3A_421 = arith.select %or3A_419, %select_n3A_396, %select_n3A_405 : vector<1x128xi1>, vector<1x128xi32>
        %select_n3A_422 = arith.select %or3A_419, %select_n3A_404, %select_n3A_395 : vector<1x128xi1>, vector<1x128xf32>
        %select_n3A_423 = arith.select %or3A_419, %select_n3A_405, %select_n3A_396 : vector<1x128xi1>, vector<1x128xi32>
        scf.yield %select_n3A_411, %select_n3A_413, %select_n3A_420, %select_n3A_422, %select_n3A_412, %select_n3A_414, %select_n3A_421, %select_n3A_423 : vector<1x128xf32>, vector<1x128xf32>, vector<1x128xf32>, vector<1x128xf32>, vector<1x128xi32>, vector<1x128xi32>, vector<1x128xi32>, vector<1x128xi32>
      }
      %while3A_48 = arith.constant 1 : i32
      %while3A_49:8 = scf.for %while3A_130 = %while3A_45 to %while3A_41 step %while3A_48 iter_args(%while3A_131 = %while3A_47#0, %while3A_132 = %while3A_47#1, %while3A_133 = %while3A_47#2, %while3A_134 = %while3A_47#3, %while3A_135 = %while3A_47#4, %while3A_136 = %while3A_47#5, %while3A_137 = %while3A_47#6, %while3A_138 = %while3A_47#7) -> (vector<1x128xf32>, vector<1x128xf32>, vector<1x128xf32>, vector<1x128xf32>, vector<1x128xi32>, vector<1x128xi32>, vector<1x128xi32>, vector<1x128xi32>)  : i32 {
        %mul3A_139 = arith.constant 256 : i32
        %mul3A_140 = arith.muli %while3A_130, %mul3A_139 : i32
        %add3A_141 = arith.addi %mul3A_32, %mul3A_140 : i32
        %multiple_of3A_142 = tpu.assume_multiple %add3A_141, 256 : i32
        %add3A_143 = arith.constant 0 : i32
        %add3A_144 = arith.addi %multiple_of3A_142, %add3A_143 : i32
        %multiple_of3A_145 = tpu.assume_multiple %add3A_144, 128 : i32
        %get3A_146 = arith.index_cast %multiple_of3A_145 : i32 to index
        %get3A_147 = arith.constant 0 : index
        %get3A_148 = vector.load %arg4[%get3A_146, %get3A_147] : memref<8192x128xf32, #tpu.memory_space<vmem>>, vector<128x128xf32>
        %get3A_149 = arith.index_cast %multiple_of3A_145 : i32 to index
        %get3A_150 = arith.constant 0 : index
        %get3A_151 = vector.load %arg5[%get3A_149, %get3A_150] : memref<8192x128xi32, #tpu.memory_space<vmem>>, vector<128x128xi32>
        %iota3A_152 = tpu.iota {dimensions = array<i32: 0>} : vector<128x128xi32>
        %add3A_153 = vector.broadcast %multiple_of3A_145 : i32 to vector<128x128xi32>
        %add3A_154 = arith.addi %add3A_153, %iota3A_152 : vector<128x128xi32>
        %eq3A_155 = vector.broadcast %get3A_38 : vector<1x128xi32> to vector<128x128xi32>
        %eq3A_156 = arith.cmpi eq, %get3A_151, %eq3A_155 : vector<128x128xi32>
        %ne3A = vector.broadcast %add3A_39 : vector<1x128xi32> to vector<128x128xi32>
        %ne3A_157 = arith.cmpi ne, %add3A_154, %ne3A : vector<128x128xi32>
        %and3A_158 = arith.andi %eq3A_156, %ne3A_157 : vector<128x128xi1>
        %sub3A_159 = vector.broadcast %get3A_35 : vector<1x128xf32> to vector<128x128xf32>
        %sub3A_160 = arith.subf %get3A_148, %sub3A_159 : vector<128x128xf32>
        %abs3A = math.absf %sub3A_160 : vector<128x128xf32>
        %broadcast_in_dim3A_161 = vector.broadcast %scan3A : f32 to vector<128x128xf32>
        %select_n3A_162 = arith.select %and3A_158, %abs3A, %broadcast_in_dim3A_161 : vector<128x128xi1>, vector<128x128xf32>
        %reduce_min3A = arith.constant dense<0x7F800000> : vector<128xf32>
        %reduce_min3A_163 = vector.multi_reduction <minimumf>, %select_n3A_162, %reduce_min3A [0] : vector<128x128xf32> to vector<128xf32>
        %broadcast_in_dim3A_164 = vector.shape_cast %reduce_min3A_163 : vector<128xf32> to vector<1x128xf32>
        %eq3A_165 = vector.broadcast %broadcast_in_dim3A_164 : vector<1x128xf32> to vector<128x128xf32>
        %eq3A_166 = arith.cmpf oeq, %select_n3A_162, %eq3A_165 : vector<128x128xf32>
        %jit3A_167 = arith.constant 1073741824 : i32
        %broadcast_in_dim3A_168 = vector.broadcast %jit3A_167 : i32 to vector<128x128xi32>
        %select_n3A_169 = arith.select %eq3A_166, %add3A_154, %broadcast_in_dim3A_168 : vector<128x128xi1>, vector<128x128xi32>
        %reduce_min3A_170 = arith.constant dense<2147483647> : vector<128xi32>
        %reduce_min3A_171 = vector.multi_reduction <minsi>, %select_n3A_169, %reduce_min3A_170 [0] : vector<128x128xi32> to vector<128xi32>
        %broadcast_in_dim3A_172 = vector.shape_cast %reduce_min3A_171 : vector<128xi32> to vector<1x128xi32>
        %eq3A_173 = vector.broadcast %broadcast_in_dim3A_172 : vector<1x128xi32> to vector<128x128xi32>
        %eq3A_174 = arith.cmpi eq, %add3A_154, %eq3A_173 : vector<128x128xi32>
        %broadcast_in_dim3A_175 = vector.broadcast %scan3A : f32 to vector<128x128xf32>
        %select_n3A_176 = arith.select %eq3A_174, %broadcast_in_dim3A_175, %select_n3A_162 : vector<128x128xi1>, vector<128x128xf32>
        %reduce_min3A_177 = arith.constant dense<0x7F800000> : vector<128xf32>
        %reduce_min3A_178 = vector.multi_reduction <minimumf>, %select_n3A_176, %reduce_min3A_177 [0] : vector<128x128xf32> to vector<128xf32>
        %broadcast_in_dim3A_179 = vector.shape_cast %reduce_min3A_178 : vector<128xf32> to vector<1x128xf32>
        %eq3A_180 = vector.broadcast %broadcast_in_dim3A_179 : vector<1x128xf32> to vector<128x128xf32>
        %eq3A_181 = arith.cmpf oeq, %select_n3A_176, %eq3A_180 : vector<128x128xf32>
        %jit3A_182 = arith.constant 1073741824 : i32
        %broadcast_in_dim3A_183 = vector.broadcast %jit3A_182 : i32 to vector<128x128xi32>
        %select_n3A_184 = arith.select %eq3A_181, %add3A_154, %broadcast_in_dim3A_183 : vector<128x128xi1>, vector<128x128xi32>
        %reduce_min3A_185 = arith.constant dense<2147483647> : vector<128xi32>
        %reduce_min3A_186 = vector.multi_reduction <minsi>, %select_n3A_184, %reduce_min3A_185 [0] : vector<128x128xi32> to vector<128xi32>
        %broadcast_in_dim3A_187 = vector.shape_cast %reduce_min3A_186 : vector<128xi32> to vector<1x128xi32>
        %eq3A_188 = vector.broadcast %broadcast_in_dim3A_187 : vector<1x128xi32> to vector<128x128xi32>
        %eq3A_189 = arith.cmpi eq, %add3A_154, %eq3A_188 : vector<128x128xi32>
        %broadcast_in_dim3A_190 = vector.broadcast %scan3A : f32 to vector<128x128xf32>
        %select_n3A_191 = arith.select %eq3A_189, %broadcast_in_dim3A_190, %select_n3A_176 : vector<128x128xi1>, vector<128x128xf32>
        %reduce_min3A_192 = arith.constant dense<0x7F800000> : vector<128xf32>
        %reduce_min3A_193 = vector.multi_reduction <minimumf>, %select_n3A_191, %reduce_min3A_192 [0] : vector<128x128xf32> to vector<128xf32>
        %broadcast_in_dim3A_194 = vector.shape_cast %reduce_min3A_193 : vector<128xf32> to vector<1x128xf32>
        %eq3A_195 = vector.broadcast %broadcast_in_dim3A_194 : vector<1x128xf32> to vector<128x128xf32>
        %eq3A_196 = arith.cmpf oeq, %select_n3A_191, %eq3A_195 : vector<128x128xf32>
        %jit3A_197 = arith.constant 1073741824 : i32
        %broadcast_in_dim3A_198 = vector.broadcast %jit3A_197 : i32 to vector<128x128xi32>
        %select_n3A_199 = arith.select %eq3A_196, %add3A_154, %broadcast_in_dim3A_198 : vector<128x128xi1>, vector<128x128xi32>
        %reduce_min3A_200 = arith.constant dense<2147483647> : vector<128xi32>
        %reduce_min3A_201 = vector.multi_reduction <minsi>, %select_n3A_199, %reduce_min3A_200 [0] : vector<128x128xi32> to vector<128xi32>
        %broadcast_in_dim3A_202 = vector.shape_cast %reduce_min3A_201 : vector<128xi32> to vector<1x128xi32>
        %eq3A_203 = vector.broadcast %broadcast_in_dim3A_202 : vector<1x128xi32> to vector<128x128xi32>
        %eq3A_204 = arith.cmpi eq, %add3A_154, %eq3A_203 : vector<128x128xi32>
        %broadcast_in_dim3A_205 = vector.broadcast %scan3A : f32 to vector<128x128xf32>
        %select_n3A_206 = arith.select %eq3A_204, %broadcast_in_dim3A_205, %select_n3A_191 : vector<128x128xi1>, vector<128x128xf32>
        %reduce_min3A_207 = arith.constant dense<0x7F800000> : vector<128xf32>
        %reduce_min3A_208 = vector.multi_reduction <minimumf>, %select_n3A_206, %reduce_min3A_207 [0] : vector<128x128xf32> to vector<128xf32>
        %broadcast_in_dim3A_209 = vector.shape_cast %reduce_min3A_208 : vector<128xf32> to vector<1x128xf32>
        %eq3A_210 = vector.broadcast %broadcast_in_dim3A_209 : vector<1x128xf32> to vector<128x128xf32>
        %eq3A_211 = arith.cmpf oeq, %select_n3A_206, %eq3A_210 : vector<128x128xf32>
        %jit3A_212 = arith.constant 1073741824 : i32
        %broadcast_in_dim3A_213 = vector.broadcast %jit3A_212 : i32 to vector<128x128xi32>
        %select_n3A_214 = arith.select %eq3A_211, %add3A_154, %broadcast_in_dim3A_213 : vector<128x128xi1>, vector<128x128xi32>
        %reduce_min3A_215 = arith.constant dense<2147483647> : vector<128xi32>
        %reduce_min3A_216 = vector.multi_reduction <minsi>, %select_n3A_214, %reduce_min3A_215 [0] : vector<128x128xi32> to vector<128xi32>
        %broadcast_in_dim3A_217 = vector.shape_cast %reduce_min3A_216 : vector<128xi32> to vector<1x128xi32>
        %add3A_218 = arith.constant 128 : i32
        %add3A_219 = arith.addi %multiple_of3A_142, %add3A_218 : i32
        %multiple_of3A_220 = tpu.assume_multiple %add3A_219, 128 : i32
        %get3A_221 = arith.index_cast %multiple_of3A_220 : i32 to index
        %get3A_222 = arith.constant 0 : index
        %get3A_223 = vector.load %arg4[%get3A_221, %get3A_222] : memref<8192x128xf32, #tpu.memory_space<vmem>>, vector<128x128xf32>
        %get3A_224 = arith.index_cast %multiple_of3A_220 : i32 to index
        %get3A_225 = arith.constant 0 : index
        %get3A_226 = vector.load %arg5[%get3A_224, %get3A_225] : memref<8192x128xi32, #tpu.memory_space<vmem>>, vector<128x128xi32>
        %iota3A_227 = tpu.iota {dimensions = array<i32: 0>} : vector<128x128xi32>
        %add3A_228 = vector.broadcast %multiple_of3A_220 : i32 to vector<128x128xi32>
        %add3A_229 = arith.addi %add3A_228, %iota3A_227 : vector<128x128xi32>
        %eq3A_230 = vector.broadcast %get3A_38 : vector<1x128xi32> to vector<128x128xi32>
        %eq3A_231 = arith.cmpi eq, %get3A_226, %eq3A_230 : vector<128x128xi32>
        %ne3A_232 = vector.broadcast %add3A_39 : vector<1x128xi32> to vector<128x128xi32>
        %ne3A_233 = arith.cmpi ne, %add3A_229, %ne3A_232 : vector<128x128xi32>
        %and3A_234 = arith.andi %eq3A_231, %ne3A_233 : vector<128x128xi1>
        %sub3A_235 = vector.broadcast %get3A_35 : vector<1x128xf32> to vector<128x128xf32>
        %sub3A_236 = arith.subf %get3A_223, %sub3A_235 : vector<128x128xf32>
        %abs3A_237 = math.absf %sub3A_236 : vector<128x128xf32>
        %broadcast_in_dim3A_238 = vector.broadcast %scan3A : f32 to vector<128x128xf32>
        %select_n3A_239 = arith.select %and3A_234, %abs3A_237, %broadcast_in_dim3A_238 : vector<128x128xi1>, vector<128x128xf32>
        %reduce_min3A_240 = arith.constant dense<0x7F800000> : vector<128xf32>
        %reduce_min3A_241 = vector.multi_reduction <minimumf>, %select_n3A_239, %reduce_min3A_240 [0] : vector<128x128xf32> to vector<128xf32>
        %broadcast_in_dim3A_242 = vector.shape_cast %reduce_min3A_241 : vector<128xf32> to vector<1x128xf32>
        %eq3A_243 = vector.broadcast %broadcast_in_dim3A_242 : vector<1x128xf32> to vector<128x128xf32>
        %eq3A_244 = arith.cmpf oeq, %select_n3A_239, %eq3A_243 : vector<128x128xf32>
        %jit3A_245 = arith.constant 1073741824 : i32
        %broadcast_in_dim3A_246 = vector.broadcast %jit3A_245 : i32 to vector<128x128xi32>
        %select_n3A_247 = arith.select %eq3A_244, %add3A_229, %broadcast_in_dim3A_246 : vector<128x128xi1>, vector<128x128xi32>
        %reduce_min3A_248 = arith.constant dense<2147483647> : vector<128xi32>
        %reduce_min3A_249 = vector.multi_reduction <minsi>, %select_n3A_247, %reduce_min3A_248 [0] : vector<128x128xi32> to vector<128xi32>
        %broadcast_in_dim3A_250 = vector.shape_cast %reduce_min3A_249 : vector<128xi32> to vector<1x128xi32>
        %eq3A_251 = vector.broadcast %broadcast_in_dim3A_250 : vector<1x128xi32> to vector<128x128xi32>
        %eq3A_252 = arith.cmpi eq, %add3A_229, %eq3A_251 : vector<128x128xi32>
        %broadcast_in_dim3A_253 = vector.broadcast %scan3A : f32 to vector<128x128xf32>
        %select_n3A_254 = arith.select %eq3A_252, %broadcast_in_dim3A_253, %select_n3A_239 : vector<128x128xi1>, vector<128x128xf32>
        %reduce_min3A_255 = arith.constant dense<0x7F800000> : vector<128xf32>
        %reduce_min3A_256 = vector.multi_reduction <minimumf>, %select_n3A_254, %reduce_min3A_255 [0] : vector<128x128xf32> to vector<128xf32>
        %broadcast_in_dim3A_257 = vector.shape_cast %reduce_min3A_256 : vector<128xf32> to vector<1x128xf32>
        %eq3A_258 = vector.broadcast %broadcast_in_dim3A_257 : vector<1x128xf32> to vector<128x128xf32>
        %eq3A_259 = arith.cmpf oeq, %select_n3A_254, %eq3A_258 : vector<128x128xf32>
        %jit3A_260 = arith.constant 1073741824 : i32
        %broadcast_in_dim3A_261 = vector.broadcast %jit3A_260 : i32 to vector<128x128xi32>
        %select_n3A_262 = arith.select %eq3A_259, %add3A_229, %broadcast_in_dim3A_261 : vector<128x128xi1>, vector<128x128xi32>
        %reduce_min3A_263 = arith.constant dense<2147483647> : vector<128xi32>
        %reduce_min3A_264 = vector.multi_reduction <minsi>, %select_n3A_262, %reduce_min3A_263 [0] : vector<128x128xi32> to vector<128xi32>
        %broadcast_in_dim3A_265 = vector.shape_cast %reduce_min3A_264 : vector<128xi32> to vector<1x128xi32>
        %eq3A_266 = vector.broadcast %broadcast_in_dim3A_265 : vector<1x128xi32> to vector<128x128xi32>
        %eq3A_267 = arith.cmpi eq, %add3A_229, %eq3A_266 : vector<128x128xi32>
        %broadcast_in_dim3A_268 = vector.broadcast %scan3A : f32 to vector<128x128xf32>
        %select_n3A_269 = arith.select %eq3A_267, %broadcast_in_dim3A_268, %select_n3A_254 : vector<128x128xi1>, vector<128x128xf32>
        %reduce_min3A_270 = arith.constant dense<0x7F800000> : vector<128xf32>
        %reduce_min3A_271 = vector.multi_reduction <minimumf>, %select_n3A_269, %reduce_min3A_270 [0] : vector<128x128xf32> to vector<128xf32>
        %broadcast_in_dim3A_272 = vector.shape_cast %reduce_min3A_271 : vector<128xf32> to vector<1x128xf32>
        %eq3A_273 = vector.broadcast %broadcast_in_dim3A_272 : vector<1x128xf32> to vector<128x128xf32>
        %eq3A_274 = arith.cmpf oeq, %select_n3A_269, %eq3A_273 : vector<128x128xf32>
        %jit3A_275 = arith.constant 1073741824 : i32
        %broadcast_in_dim3A_276 = vector.broadcast %jit3A_275 : i32 to vector<128x128xi32>
        %select_n3A_277 = arith.select %eq3A_274, %add3A_229, %broadcast_in_dim3A_276 : vector<128x128xi1>, vector<128x128xi32>
        %reduce_min3A_278 = arith.constant dense<2147483647> : vector<128xi32>
        %reduce_min3A_279 = vector.multi_reduction <minsi>, %select_n3A_277, %reduce_min3A_278 [0] : vector<128x128xi32> to vector<128xi32>
        %broadcast_in_dim3A_280 = vector.shape_cast %reduce_min3A_279 : vector<128xi32> to vector<1x128xi32>
        %eq3A_281 = vector.broadcast %broadcast_in_dim3A_280 : vector<1x128xi32> to vector<128x128xi32>
        %eq3A_282 = arith.cmpi eq, %add3A_229, %eq3A_281 : vector<128x128xi32>
        %broadcast_in_dim3A_283 = vector.broadcast %scan3A : f32 to vector<128x128xf32>
        %select_n3A_284 = arith.select %eq3A_282, %broadcast_in_dim3A_283, %select_n3A_269 : vector<128x128xi1>, vector<128x128xf32>
        %reduce_min3A_285 = arith.constant dense<0x7F800000> : vector<128xf32>
        %reduce_min3A_286 = vector.multi_reduction <minimumf>, %select_n3A_284, %reduce_min3A_285 [0] : vector<128x128xf32> to vector<128xf32>
        %broadcast_in_dim3A_287 = vector.shape_cast %reduce_min3A_286 : vector<128xf32> to vector<1x128xf32>
        %eq3A_288 = vector.broadcast %broadcast_in_dim3A_287 : vector<1x128xf32> to vector<128x128xf32>
        %eq3A_289 = arith.cmpf oeq, %select_n3A_284, %eq3A_288 : vector<128x128xf32>
        %jit3A_290 = arith.constant 1073741824 : i32
        %broadcast_in_dim3A_291 = vector.broadcast %jit3A_290 : i32 to vector<128x128xi32>
        %select_n3A_292 = arith.select %eq3A_289, %add3A_229, %broadcast_in_dim3A_291 : vector<128x128xi1>, vector<128x128xi32>
        %reduce_min3A_293 = arith.constant dense<2147483647> : vector<128xi32>
        %reduce_min3A_294 = vector.multi_reduction <minsi>, %select_n3A_292, %reduce_min3A_293 [0] : vector<128x128xi32> to vector<128xi32>
        %broadcast_in_dim3A_295 = vector.shape_cast %reduce_min3A_294 : vector<128xi32> to vector<1x128xi32>
        %lt3A_296 = arith.cmpf olt, %broadcast_in_dim3A_164, %broadcast_in_dim3A_287 : vector<1x128xf32>
        %eq3A_297 = arith.cmpf oeq, %broadcast_in_dim3A_164, %broadcast_in_dim3A_287 : vector<1x128xf32>
        %lt3A_298 = arith.cmpi slt, %broadcast_in_dim3A_172, %broadcast_in_dim3A_295 : vector<1x128xi32>
        %and3A_299 = arith.andi %eq3A_297, %lt3A_298 : vector<1x128xi1>
        %or3A_300 = arith.ori %lt3A_296, %and3A_299 : vector<1x128xi1>
        %select_n3A_301 = arith.select %or3A_300, %broadcast_in_dim3A_164, %broadcast_in_dim3A_287 : vector<1x128xi1>, vector<1x128xf32>
        %select_n3A_302 = arith.select %or3A_300, %broadcast_in_dim3A_172, %broadcast_in_dim3A_295 : vector<1x128xi1>, vector<1x128xi32>
        %lt3A_303 = arith.cmpf olt, %broadcast_in_dim3A_179, %broadcast_in_dim3A_272 : vector<1x128xf32>
        %eq3A_304 = arith.cmpf oeq, %broadcast_in_dim3A_179, %broadcast_in_dim3A_272 : vector<1x128xf32>
        %lt3A_305 = arith.cmpi slt, %broadcast_in_dim3A_187, %broadcast_in_dim3A_280 : vector<1x128xi32>
        %and3A_306 = arith.andi %eq3A_304, %lt3A_305 : vector<1x128xi1>
        %or3A_307 = arith.ori %lt3A_303, %and3A_306 : vector<1x128xi1>
        %select_n3A_308 = arith.select %or3A_307, %broadcast_in_dim3A_179, %broadcast_in_dim3A_272 : vector<1x128xi1>, vector<1x128xf32>
        %select_n3A_309 = arith.select %or3A_307, %broadcast_in_dim3A_187, %broadcast_in_dim3A_280 : vector<1x128xi1>, vector<1x128xi32>
        %lt3A_310 = arith.cmpf olt, %broadcast_in_dim3A_194, %broadcast_in_dim3A_257 : vector<1x128xf32>
        %eq3A_311 = arith.cmpf oeq, %broadcast_in_dim3A_194, %broadcast_in_dim3A_257 : vector<1x128xf32>
        %lt3A_312 = arith.cmpi slt, %broadcast_in_dim3A_202, %broadcast_in_dim3A_265 : vector<1x128xi32>
        %and3A_313 = arith.andi %eq3A_311, %lt3A_312 : vector<1x128xi1>
        %or3A_314 = arith.ori %lt3A_310, %and3A_313 : vector<1x128xi1>
        %select_n3A_315 = arith.select %or3A_314, %broadcast_in_dim3A_194, %broadcast_in_dim3A_257 : vector<1x128xi1>, vector<1x128xf32>
        %select_n3A_316 = arith.select %or3A_314, %broadcast_in_dim3A_202, %broadcast_in_dim3A_265 : vector<1x128xi1>, vector<1x128xi32>
        %lt3A_317 = arith.cmpf olt, %broadcast_in_dim3A_209, %broadcast_in_dim3A_242 : vector<1x128xf32>
        %eq3A_318 = arith.cmpf oeq, %broadcast_in_dim3A_209, %broadcast_in_dim3A_242 : vector<1x128xf32>
        %lt3A_319 = arith.cmpi slt, %broadcast_in_dim3A_217, %broadcast_in_dim3A_250 : vector<1x128xi32>
        %and3A_320 = arith.andi %eq3A_318, %lt3A_319 : vector<1x128xi1>
        %or3A_321 = arith.ori %lt3A_317, %and3A_320 : vector<1x128xi1>
        %select_n3A_322 = arith.select %or3A_321, %broadcast_in_dim3A_209, %broadcast_in_dim3A_242 : vector<1x128xi1>, vector<1x128xf32>
        %select_n3A_323 = arith.select %or3A_321, %broadcast_in_dim3A_217, %broadcast_in_dim3A_250 : vector<1x128xi1>, vector<1x128xi32>
        %lt3A_324 = arith.cmpf olt, %select_n3A_301, %select_n3A_315 : vector<1x128xf32>
        %eq3A_325 = arith.cmpf oeq, %select_n3A_301, %select_n3A_315 : vector<1x128xf32>
        %lt3A_326 = arith.cmpi slt, %select_n3A_302, %select_n3A_316 : vector<1x128xi32>
        %and3A_327 = arith.andi %eq3A_325, %lt3A_326 : vector<1x128xi1>
        %or3A_328 = arith.ori %lt3A_324, %and3A_327 : vector<1x128xi1>
        %select_n3A_329 = arith.select %or3A_328, %select_n3A_301, %select_n3A_315 : vector<1x128xi1>, vector<1x128xf32>
        %select_n3A_330 = arith.select %or3A_328, %select_n3A_302, %select_n3A_316 : vector<1x128xi1>, vector<1x128xi32>
        %select_n3A_331 = arith.select %or3A_328, %select_n3A_315, %select_n3A_301 : vector<1x128xi1>, vector<1x128xf32>
        %select_n3A_332 = arith.select %or3A_328, %select_n3A_316, %select_n3A_302 : vector<1x128xi1>, vector<1x128xi32>
        %lt3A_333 = arith.cmpf olt, %select_n3A_308, %select_n3A_322 : vector<1x128xf32>
        %eq3A_334 = arith.cmpf oeq, %select_n3A_308, %select_n3A_322 : vector<1x128xf32>
        %lt3A_335 = arith.cmpi slt, %select_n3A_309, %select_n3A_323 : vector<1x128xi32>
        %and3A_336 = arith.andi %eq3A_334, %lt3A_335 : vector<1x128xi1>
        %or3A_337 = arith.ori %lt3A_333, %and3A_336 : vector<1x128xi1>
        %select_n3A_338 = arith.select %or3A_337, %select_n3A_308, %select_n3A_322 : vector<1x128xi1>, vector<1x128xf32>
        %select_n3A_339 = arith.select %or3A_337, %select_n3A_309, %select_n3A_323 : vector<1x128xi1>, vector<1x128xi32>
        %select_n3A_340 = arith.select %or3A_337, %select_n3A_322, %select_n3A_308 : vector<1x128xi1>, vector<1x128xf32>
        %select_n3A_341 = arith.select %or3A_337, %select_n3A_323, %select_n3A_309 : vector<1x128xi1>, vector<1x128xi32>
        %lt3A_342 = arith.cmpf olt, %select_n3A_329, %select_n3A_338 : vector<1x128xf32>
        %eq3A_343 = arith.cmpf oeq, %select_n3A_329, %select_n3A_338 : vector<1x128xf32>
        %lt3A_344 = arith.cmpi slt, %select_n3A_330, %select_n3A_339 : vector<1x128xi32>
        %and3A_345 = arith.andi %eq3A_343, %lt3A_344 : vector<1x128xi1>
        %or3A_346 = arith.ori %lt3A_342, %and3A_345 : vector<1x128xi1>
        %select_n3A_347 = arith.select %or3A_346, %select_n3A_329, %select_n3A_338 : vector<1x128xi1>, vector<1x128xf32>
        %select_n3A_348 = arith.select %or3A_346, %select_n3A_330, %select_n3A_339 : vector<1x128xi1>, vector<1x128xi32>
        %select_n3A_349 = arith.select %or3A_346, %select_n3A_338, %select_n3A_329 : vector<1x128xi1>, vector<1x128xf32>
        %select_n3A_350 = arith.select %or3A_346, %select_n3A_339, %select_n3A_330 : vector<1x128xi1>, vector<1x128xi32>
        %lt3A_351 = arith.cmpf olt, %select_n3A_331, %select_n3A_340 : vector<1x128xf32>
        %eq3A_352 = arith.cmpf oeq, %select_n3A_331, %select_n3A_340 : vector<1x128xf32>
        %lt3A_353 = arith.cmpi slt, %select_n3A_332, %select_n3A_341 : vector<1x128xi32>
        %and3A_354 = arith.andi %eq3A_352, %lt3A_353 : vector<1x128xi1>
        %or3A_355 = arith.ori %lt3A_351, %and3A_354 : vector<1x128xi1>
        %select_n3A_356 = arith.select %or3A_355, %select_n3A_331, %select_n3A_340 : vector<1x128xi1>, vector<1x128xf32>
        %select_n3A_357 = arith.select %or3A_355, %select_n3A_332, %select_n3A_341 : vector<1x128xi1>, vector<1x128xi32>
        %select_n3A_358 = arith.select %or3A_355, %select_n3A_340, %select_n3A_331 : vector<1x128xi1>, vector<1x128xf32>
        %select_n3A_359 = arith.select %or3A_355, %select_n3A_341, %select_n3A_332 : vector<1x128xi1>, vector<1x128xi32>
        %lt3A_360 = arith.cmpf olt, %while3A_131, %select_n3A_358 : vector<1x128xf32>
        %eq3A_361 = arith.cmpf oeq, %while3A_131, %select_n3A_358 : vector<1x128xf32>
        %lt3A_362 = arith.cmpi slt, %while3A_135, %select_n3A_359 : vector<1x128xi32>
        %and3A_363 = arith.andi %eq3A_361, %lt3A_362 : vector<1x128xi1>
        %or3A_364 = arith.ori %lt3A_360, %and3A_363 : vector<1x128xi1>
        %select_n3A_365 = arith.select %or3A_364, %while3A_131, %select_n3A_358 : vector<1x128xi1>, vector<1x128xf32>
        %select_n3A_366 = arith.select %or3A_364, %while3A_135, %select_n3A_359 : vector<1x128xi1>, vector<1x128xi32>
        %lt3A_367 = arith.cmpf olt, %while3A_132, %select_n3A_356 : vector<1x128xf32>
        %eq3A_368 = arith.cmpf oeq, %while3A_132, %select_n3A_356 : vector<1x128xf32>
        %lt3A_369 = arith.cmpi slt, %while3A_136, %select_n3A_357 : vector<1x128xi32>
        %and3A_370 = arith.andi %eq3A_368, %lt3A_369 : vector<1x128xi1>
        %or3A_371 = arith.ori %lt3A_367, %and3A_370 : vector<1x128xi1>
        %select_n3A_372 = arith.select %or3A_371, %while3A_132, %select_n3A_356 : vector<1x128xi1>, vector<1x128xf32>
        %select_n3A_373 = arith.select %or3A_371, %while3A_136, %select_n3A_357 : vector<1x128xi1>, vector<1x128xi32>
        %lt3A_374 = arith.cmpf olt, %while3A_133, %select_n3A_349 : vector<1x128xf32>
        %eq3A_375 = arith.cmpf oeq, %while3A_133, %select_n3A_349 : vector<1x128xf32>
        %lt3A_376 = arith.cmpi slt, %while3A_137, %select_n3A_350 : vector<1x128xi32>
        %and3A_377 = arith.andi %eq3A_375, %lt3A_376 : vector<1x128xi1>
        %or3A_378 = arith.ori %lt3A_374, %and3A_377 : vector<1x128xi1>
        %select_n3A_379 = arith.select %or3A_378, %while3A_133, %select_n3A_349 : vector<1x128xi1>, vector<1x128xf32>
        %select_n3A_380 = arith.select %or3A_378, %while3A_137, %select_n3A_350 : vector<1x128xi1>, vector<1x128xi32>
        %lt3A_381 = arith.cmpf olt, %while3A_134, %select_n3A_347 : vector<1x128xf32>
        %eq3A_382 = arith.cmpf oeq, %while3A_134, %select_n3A_347 : vector<1x128xf32>
        %lt3A_383 = arith.cmpi slt, %while3A_138, %select_n3A_348 : vector<1x128xi32>
        %and3A_384 = arith.andi %eq3A_382, %lt3A_383 : vector<1x128xi1>
        %or3A_385 = arith.ori %lt3A_381, %and3A_384 : vector<1x128xi1>
        %select_n3A_386 = arith.select %or3A_385, %while3A_134, %select_n3A_347 : vector<1x128xi1>, vector<1x128xf32>
        %select_n3A_387 = arith.select %or3A_385, %while3A_138, %select_n3A_348 : vector<1x128xi1>, vector<1x128xi32>
        %lt3A_388 = arith.cmpf olt, %select_n3A_365, %select_n3A_379 : vector<1x128xf32>
        %eq3A_389 = arith.cmpf oeq, %select_n3A_365, %select_n3A_379 : vector<1x128xf32>
        %lt3A_390 = arith.cmpi slt, %select_n3A_366, %select_n3A_380 : vector<1x128xi32>
        %and3A_391 = arith.andi %eq3A_389, %lt3A_390 : vector<1x128xi1>
        %or3A_392 = arith.ori %lt3A_388, %and3A_391 : vector<1x128xi1>
        %select_n3A_393 = arith.select %or3A_392, %select_n3A_365, %select_n3A_379 : vector<1x128xi1>, vector<1x128xf32>
        %select_n3A_394 = arith.select %or3A_392, %select_n3A_366, %select_n3A_380 : vector<1x128xi1>, vector<1x128xi32>
        %select_n3A_395 = arith.select %or3A_392, %select_n3A_379, %select_n3A_365 : vector<1x128xi1>, vector<1x128xf32>
        %select_n3A_396 = arith.select %or3A_392, %select_n3A_380, %select_n3A_366 : vector<1x128xi1>, vector<1x128xi32>
        %lt3A_397 = arith.cmpf olt, %select_n3A_372, %select_n3A_386 : vector<1x128xf32>
        %eq3A_398 = arith.cmpf oeq, %select_n3A_372, %select_n3A_386 : vector<1x128xf32>
        %lt3A_399 = arith.cmpi slt, %select_n3A_373, %select_n3A_387 : vector<1x128xi32>
        %and3A_400 = arith.andi %eq3A_398, %lt3A_399 : vector<1x128xi1>
        %or3A_401 = arith.ori %lt3A_397, %and3A_400 : vector<1x128xi1>
        %select_n3A_402 = arith.select %or3A_401, %select_n3A_372, %select_n3A_386 : vector<1x128xi1>, vector<1x128xf32>
        %select_n3A_403 = arith.select %or3A_401, %select_n3A_373, %select_n3A_387 : vector<1x128xi1>, vector<1x128xi32>
        %select_n3A_404 = arith.select %or3A_401, %select_n3A_386, %select_n3A_372 : vector<1x128xi1>, vector<1x128xf32>
        %select_n3A_405 = arith.select %or3A_401, %select_n3A_387, %select_n3A_373 : vector<1x128xi1>, vector<1x128xi32>
        %lt3A_406 = arith.cmpf olt, %select_n3A_393, %select_n3A_402 : vector<1x128xf32>
        %eq3A_407 = arith.cmpf oeq, %select_n3A_393, %select_n3A_402 : vector<1x128xf32>
        %lt3A_408 = arith.cmpi slt, %select_n3A_394, %select_n3A_403 : vector<1x128xi32>
        %and3A_409 = arith.andi %eq3A_407, %lt3A_408 : vector<1x128xi1>
        %or3A_410 = arith.ori %lt3A_406, %and3A_409 : vector<1x128xi1>
        %select_n3A_411 = arith.select %or3A_410, %select_n3A_393, %select_n3A_402 : vector<1x128xi1>, vector<1x128xf32>
        %select_n3A_412 = arith.select %or3A_410, %select_n3A_394, %select_n3A_403 : vector<1x128xi1>, vector<1x128xi32>
        %select_n3A_413 = arith.select %or3A_410, %select_n3A_402, %select_n3A_393 : vector<1x128xi1>, vector<1x128xf32>
        %select_n3A_414 = arith.select %or3A_410, %select_n3A_403, %select_n3A_394 : vector<1x128xi1>, vector<1x128xi32>
        %lt3A_415 = arith.cmpf olt, %select_n3A_395, %select_n3A_404 : vector<1x128xf32>
        %eq3A_416 = arith.cmpf oeq, %select_n3A_395, %select_n3A_404 : vector<1x128xf32>
        %lt3A_417 = arith.cmpi slt, %select_n3A_396, %select_n3A_405 : vector<1x128xi32>
        %and3A_418 = arith.andi %eq3A_416, %lt3A_417 : vector<1x128xi1>
        %or3A_419 = arith.ori %lt3A_415, %and3A_418 : vector<1x128xi1>
        %select_n3A_420 = arith.select %or3A_419, %select_n3A_395, %select_n3A_404 : vector<1x128xi1>, vector<1x128xf32>
        %select_n3A_421 = arith.select %or3A_419, %select_n3A_396, %select_n3A_405 : vector<1x128xi1>, vector<1x128xi32>
        %select_n3A_422 = arith.select %or3A_419, %select_n3A_404, %select_n3A_395 : vector<1x128xi1>, vector<1x128xf32>
        %select_n3A_423 = arith.select %or3A_419, %select_n3A_405, %select_n3A_396 : vector<1x128xi1>, vector<1x128xi32>
        scf.yield %select_n3A_411, %select_n3A_413, %select_n3A_420, %select_n3A_422, %select_n3A_412, %select_n3A_414, %select_n3A_421, %select_n3A_423 : vector<1x128xf32>, vector<1x128xf32>, vector<1x128xf32>, vector<1x128xf32>, vector<1x128xi32>, vector<1x128xi32>, vector<1x128xi32>, vector<1x128xi32>
      }
      %gt3A = arith.constant 0 : i32
      %gt3A_50 = arith.cmpi sgt, %mul3A_32, %gt3A : i32
      %jit3A = arith.constant 0 : i32
      %jit3A_51 = arith.constant 1073741824 : i32
      %select_n3A = arith.select %gt3A_50, %jit3A, %jit3A_51 : i32
      %broadcast_in_dim3A_52 = vector.broadcast %select_n3A : i32 to vector<1x128xi32>
      %gt3A_53 = arith.constant 1 : i32
      %gt3A_54 = arith.cmpi sgt, %mul3A_32, %gt3A_53 : i32
      %jit3A_55 = arith.constant 1 : i32
      %jit3A_56 = arith.constant 1073741824 : i32
      %select_n3A_57 = arith.select %gt3A_54, %jit3A_55, %jit3A_56 : i32
      %broadcast_in_dim3A_58 = vector.broadcast %select_n3A_57 : i32 to vector<1x128xi32>
      %gt3A_59 = arith.constant 2 : i32
      %gt3A_60 = arith.cmpi sgt, %mul3A_32, %gt3A_59 : i32
      %jit3A_61 = arith.constant 2 : i32
      %jit3A_62 = arith.constant 1073741824 : i32
      %select_n3A_63 = arith.select %gt3A_60, %jit3A_61, %jit3A_62 : i32
      %broadcast_in_dim3A_64 = vector.broadcast %select_n3A_63 : i32 to vector<1x128xi32>
      %gt3A_65 = arith.constant 3 : i32
      %gt3A_66 = arith.cmpi sgt, %mul3A_32, %gt3A_65 : i32
      %jit3A_67 = arith.constant 3 : i32
      %jit3A_68 = arith.constant 1073741824 : i32
      %select_n3A_69 = arith.select %gt3A_66, %jit3A_67, %jit3A_68 : i32
      %broadcast_in_dim3A_70 = vector.broadcast %select_n3A_69 : i32 to vector<1x128xi32>
      %lt3A_71 = arith.cmpf olt, %while3A_49#0, %broadcast_in_dim3A_0 : vector<1x128xf32>
      %eq3A = arith.cmpf oeq, %while3A_49#0, %broadcast_in_dim3A_0 : vector<1x128xf32>
      %lt3A_72 = arith.cmpi slt, %while3A_49#4, %broadcast_in_dim3A_70 : vector<1x128xi32>
      %and3A = arith.andi %eq3A, %lt3A_72 : vector<1x128xi1>
      %or3A = arith.ori %lt3A_71, %and3A : vector<1x128xi1>
      %select_n3A_73 = arith.select %or3A, %while3A_49#0, %broadcast_in_dim3A_0 : vector<1x128xi1>, vector<1x128xf32>
      %select_n3A_74 = arith.select %or3A, %while3A_49#4, %broadcast_in_dim3A_70 : vector<1x128xi1>, vector<1x128xi32>
      %lt3A_75 = arith.cmpf olt, %while3A_49#1, %broadcast_in_dim3A_0 : vector<1x128xf32>
      %eq3A_76 = arith.cmpf oeq, %while3A_49#1, %broadcast_in_dim3A_0 : vector<1x128xf32>
      %lt3A_77 = arith.cmpi slt, %while3A_49#5, %broadcast_in_dim3A_64 : vector<1x128xi32>
      %and3A_78 = arith.andi %eq3A_76, %lt3A_77 : vector<1x128xi1>
      %or3A_79 = arith.ori %lt3A_75, %and3A_78 : vector<1x128xi1>
      %select_n3A_80 = arith.select %or3A_79, %while3A_49#1, %broadcast_in_dim3A_0 : vector<1x128xi1>, vector<1x128xf32>
      %select_n3A_81 = arith.select %or3A_79, %while3A_49#5, %broadcast_in_dim3A_64 : vector<1x128xi1>, vector<1x128xi32>
      %lt3A_82 = arith.cmpf olt, %while3A_49#2, %broadcast_in_dim3A_0 : vector<1x128xf32>
      %eq3A_83 = arith.cmpf oeq, %while3A_49#2, %broadcast_in_dim3A_0 : vector<1x128xf32>
      %lt3A_84 = arith.cmpi slt, %while3A_49#6, %broadcast_in_dim3A_58 : vector<1x128xi32>
      %and3A_85 = arith.andi %eq3A_83, %lt3A_84 : vector<1x128xi1>
      %or3A_86 = arith.ori %lt3A_82, %and3A_85 : vector<1x128xi1>
      %select_n3A_87 = arith.select %or3A_86, %while3A_49#2, %broadcast_in_dim3A_0 : vector<1x128xi1>, vector<1x128xf32>
      %select_n3A_88 = arith.select %or3A_86, %while3A_49#6, %broadcast_in_dim3A_58 : vector<1x128xi1>, vector<1x128xi32>
      %lt3A_89 = arith.cmpf olt, %while3A_49#3, %broadcast_in_dim3A_0 : vector<1x128xf32>
      %eq3A_90 = arith.cmpf oeq, %while3A_49#3, %broadcast_in_dim3A_0 : vector<1x128xf32>
      %lt3A_91 = arith.cmpi slt, %while3A_49#7, %broadcast_in_dim3A_52 : vector<1x128xi32>
      %and3A_92 = arith.andi %eq3A_90, %lt3A_91 : vector<1x128xi1>
      %or3A_93 = arith.ori %lt3A_89, %and3A_92 : vector<1x128xi1>
      %select_n3A_94 = arith.select %or3A_93, %while3A_49#3, %broadcast_in_dim3A_0 : vector<1x128xi1>, vector<1x128xf32>
      %select_n3A_95 = arith.select %or3A_93, %while3A_49#7, %broadcast_in_dim3A_52 : vector<1x128xi1>, vector<1x128xi32>
      %lt3A_96 = arith.cmpf olt, %select_n3A_73, %select_n3A_87 : vector<1x128xf32>
      %eq3A_97 = arith.cmpf oeq, %select_n3A_73, %select_n3A_87 : vector<1x128xf32>
      %lt3A_98 = arith.cmpi slt, %select_n3A_74, %select_n3A_88 : vector<1x128xi32>
      %and3A_99 = arith.andi %eq3A_97, %lt3A_98 : vector<1x128xi1>
      %or3A_100 = arith.ori %lt3A_96, %and3A_99 : vector<1x128xi1>
      %select_n3A_101 = arith.select %or3A_100, %select_n3A_73, %select_n3A_87 : vector<1x128xi1>, vector<1x128xf32>
      %select_n3A_102 = arith.select %or3A_100, %select_n3A_74, %select_n3A_88 : vector<1x128xi1>, vector<1x128xi32>
      %select_n3A_103 = arith.select %or3A_100, %select_n3A_87, %select_n3A_73 : vector<1x128xi1>, vector<1x128xf32>
      %select_n3A_104 = arith.select %or3A_100, %select_n3A_88, %select_n3A_74 : vector<1x128xi1>, vector<1x128xi32>
      %lt3A_105 = arith.cmpf olt, %select_n3A_80, %select_n3A_94 : vector<1x128xf32>
      %eq3A_106 = arith.cmpf oeq, %select_n3A_80, %select_n3A_94 : vector<1x128xf32>
      %lt3A_107 = arith.cmpi slt, %select_n3A_81, %select_n3A_95 : vector<1x128xi32>
      %and3A_108 = arith.andi %eq3A_106, %lt3A_107 : vector<1x128xi1>
      %or3A_109 = arith.ori %lt3A_105, %and3A_108 : vector<1x128xi1>
      %select_n3A_110 = arith.select %or3A_109, %select_n3A_80, %select_n3A_94 : vector<1x128xi1>, vector<1x128xf32>
      %select_n3A_111 = arith.select %or3A_109, %select_n3A_81, %select_n3A_95 : vector<1x128xi1>, vector<1x128xi32>
      %select_n3A_112 = arith.select %or3A_109, %select_n3A_94, %select_n3A_80 : vector<1x128xi1>, vector<1x128xf32>
      %select_n3A_113 = arith.select %or3A_109, %select_n3A_95, %select_n3A_81 : vector<1x128xi1>, vector<1x128xi32>
      %lt3A_114 = arith.cmpf olt, %select_n3A_101, %select_n3A_110 : vector<1x128xf32>
      %eq3A_115 = arith.cmpf oeq, %select_n3A_101, %select_n3A_110 : vector<1x128xf32>
      %lt3A_116 = arith.cmpi slt, %select_n3A_102, %select_n3A_111 : vector<1x128xi32>
      %and3A_117 = arith.andi %eq3A_115, %lt3A_116 : vector<1x128xi1>
      %or3A_118 = arith.ori %lt3A_114, %and3A_117 : vector<1x128xi1>
      %select_n3A_119 = arith.select %or3A_118, %select_n3A_102, %select_n3A_111 : vector<1x128xi1>, vector<1x128xi32>
      %select_n3A_120 = arith.select %or3A_118, %select_n3A_111, %select_n3A_102 : vector<1x128xi1>, vector<1x128xi32>
      %lt3A_121 = arith.cmpf olt, %select_n3A_103, %select_n3A_112 : vector<1x128xf32>
      %eq3A_122 = arith.cmpf oeq, %select_n3A_103, %select_n3A_112 : vector<1x128xf32>
      %lt3A_123 = arith.cmpi slt, %select_n3A_104, %select_n3A_113 : vector<1x128xi32>
      %and3A_124 = arith.andi %eq3A_122, %lt3A_123 : vector<1x128xi1>
      %or3A_125 = arith.ori %lt3A_121, %and3A_124 : vector<1x128xi1>
      %select_n3A_126 = arith.select %or3A_125, %select_n3A_104, %select_n3A_113 : vector<1x128xi1>, vector<1x128xi32>
      %select_n3A_127 = arith.select %or3A_125, %select_n3A_113, %select_n3A_104 : vector<1x128xi1>, vector<1x128xi32>
      %concatenate3A = tpu.concatenate %select_n3A_119, %select_n3A_120, %select_n3A_126, %select_n3A_127 in 0 : vector<1x128xi32>, vector<1x128xi32>, vector<1x128xi32>, vector<1x128xi32> -> vector<4x128xi32>
      %swap3A = arith.constant 0 : index
      %swap3A_128 = arith.index_cast %multiple_of3A : i32 to index
      %swap3A_129 = vector.load %arg8[%swap3A, %swap3A_128] : memref<4x8192xi32, #tpu.memory_space<vmem>>, vector<4x128xi32>
      tpu.vector_store %arg8[%swap3A, %swap3A_128], %concatenate3A {strides = array<i32>} : memref<4x8192xi32, #tpu.memory_space<vmem>>, vector<4x128xi32>,
    }
    %scan3A_12 = arith.constant 64 : i32
    return
  }
}

</mosaic_0001>

<sc_bundles>
// kernel: kernel.4.cloned.1.call-start
scs
__scs_entry_jumppad:
0x0: {  	(pc) =	sbr.rel $0x88, $3  }
0x1: {  	(tag) =	ssettag $0x0;
	lr =	simm.s32 $0x1  }
0x2: {  	[smem:$0x3F9E] =	sst lr;
	_ =	strace $0xD0000000  }
0x3: {  	_ = 	snop  }
0x4: {  	_ = 	snop  }
0x5: {  	_ = 	snop  }
0x6: {  	_ = 	snop  }
0x7: {  	_ = 	snop  }
__scs_overlays_trampoline_lowered:
0x8: {  	[smem:$0x3FAD] =	sst s0  }
0x9: {  	[smem:$0x3FAE] =	sst s1  }
0xa: {  	[smem:$0x3FAF] =	sst s2  }
0xb: {  	[smem:$0x3FB0] =	sst s3  }
0xc: {  	[smem:$0x3FB1] =	sst s4  }
0xd: {  	[smem:$0x3FB2] =	sst s5  }
0xe: {  	[smem:$0x3FB3] =	sst s6  }
0xf: {  	[smem:$0x3FB4] =	sst s7  }
0x10: {  	[smem:$0x3FB5] =	sst s8  }
0x11: {  	[smem:$0x3FB6] =	sst s9;
	s0 =	simm.s32 @!p0 $0x0  }
0x12: {  	s1 =	sld [smem:$0x3F9C];
	s0 =	simm.s32 @p0 $0x1  }
0x13: {  	[smem:$0x3FB7] =	sst s0;
	s0 =	simm.s32 @!p1 $0x0  }
0x14: {  	s2 =	sld [smem:$0x3F9B];
	s0 =	simm.s32 @p1 $0x1  }
0x15: {  	[smem:$0x3FB8] =	sst s0;
	s0 =	simm.s32 @!p2 $0x0  }
0x16: {  	s3 =	sld [smem:$0x3FDB];
	s0 =	simm.s32 @p2 $0x1  }
0x17: {  	s4 =	simm.s32 $0x1BF5;
	[smem:$0x3FBA] =	sst s0  }
0x18: {  	s0 =	sld [smem:$0x3F9D];
	_ =	swait.ge [sflag:s4], $0x0  }
0x19: {  	s7 =	sld [smem:$0x3F9E]  }
0x1a: {  	s8 =	sadd.s32 $0xFFFFE003, lr  }
0x1b: {  	s9 =	sadd.s32 $0xFFFFFEF7, lr;
	s5 =	simm.s32 $0xFFFFFFFF;
	p2 =	slt.u32 s8, $0xFFFFF086  }
0x1c: {  	p1 =	slt.u32 s9, $0xF7A;
	s5 =	simm.s32 @!p2 $0x0  }
0x1d: {  	s5 =	simm.s32 @p1 $0x1;
	p0 =	seq.s32 s7, s2  }
0x1e: {  	s7 =	smul.u32 @!p0 $0xF7A, s2;
	p2 =	seq.s32 @!p0 s5, $0x0  }
0x1f: {  	s9 =	smul.u32 $0xF7A, s1;
	s8 =	simm.s32 @!p0 $0x1BF5;
	p2 =	por !p2, p0  }
0x20: {  	[sflag:s8] =	ssyncset.s32 @!p0 $0xFFFFF086;
	s6 =	sadd.s32 @!p0 s3, s7;
	s7 =	simm.s32 @!p0 $0x108  }
0x21: {  	s3 =	sadd.s32 s3, s9;
	s6 =	sadd.s32 @!p0 $0x88, s6;
	s7 =	simm.s32 @p2 $0x1082  }
0x22: {  	[simem:s7], [sflag:s8] =	dma.local @!p0 [hbm:s6], $0xF7A  }
0x23: {  	s9 =	sor.u32 $0xD0000000, s2;
	s6 =	simm.s32 $0x108;
	_ =	swait.ge @!p0 [sflag:s8], $0x0  }
0x24: {  	s3 =	sadd.s32 $0x88, s3;
	s6 =	simm.s32 @!p1 $0x1082;
	[sflag:s4] =	ssyncset.s32 $0xFFFFF086  }
0x25: {  	[simem:s6], [sflag:s4] =	dma.local [hbm:s3], $0xF7A  }
0x26: {  	[smem:$0x3F9E] =	sst s1;
	(tag) =	ssettag s2;
	_ =	strace s9  }
0x27: {  	s1 =	sld [smem:$0x3FAE]  }
0x28: {  	s2 =	sld [smem:$0x3FAF]  }
0x29: {  	s4 =	sld [smem:$0x3FB1]  }
0x2a: {  	p0 =	seq.s32 s5, $0x0;
	s5 =	sld [smem:$0x3FB2]  }
0x2b: {  	s6 =	sld [smem:$0x3FB3]  }
0x2c: {  	s7 =	sld [smem:$0x3FB4]  }
0x2d: {  	s3 =	simm.s32 $0x108;
	s8 =	sld [smem:$0x3FB5]  }
0x2e: {  	s3 =	simm.s32 @!p0 $0x1082;
	s9 =	sld [smem:$0x3FB6]  }
0x2f: {  	lr =	sadd.s32 s0, s3;
	s0 =	sld [smem:$0x3FAD]  }
0x30: {  	s3 =	sld [smem:$0x3FB0]  }
0x31: {  	[smem:$0x3FB9] =	sst s10  }
0x32: {  	s10 =	sld [smem:$0x3FB7];
	_ =	sdelay $0x3  }
0x33: {  	p0 =	seq.s32 s10, $0x1;
	s10 =	sld [smem:$0x3FB9];
	_ =	sdelay $0x3  }
0x34: {  	[smem:$0x3FB9] =	sst s10  }
0x35: {  	s10 =	sld [smem:$0x3FB8];
	_ =	sdelay $0x3  }
0x36: {  	p1 =	seq.s32 s10, $0x1;
	s10 =	sld [smem:$0x3FB9];
	_ =	sdelay $0x3  }
0x37: {  	[smem:$0x3FB9] =	sst s10  }
0x38: {  	s10 =	sld [smem:$0x3FBA]  }
0x39: {  	_ = 	snop;
	(pc) =	sbr.ind lr, $3  }
0x3a: {  	_ = 	snop  }
0x3b: {  	_ = 	snop  }
0x3c: {  	p2 =	seq.s32 s10, $0x1;
	s10 =	sld [smem:$0x3FB9]  }
0x3d: {  	_ =	shalt  }
0x3e: {  	_ =	shalt  }
0x3f: {  	_ =	shalt  }
0x40: {  	_ =	shalt  }
0x41: {  	_ =	shalt  }
0x42: {  	_ =	shalt  }
0x43: {  	_ =	shalt  }
0x44: {  	_ =	shalt  }
0x45: {  	_ =	shalt  }
0x46: {  	_ =	shalt  }
0x47: {  	_ =	shalt  }
0x48: {  	_ =	shalt  }
0x49: {  	_ =	shalt  }
0x4a: {  	_ =	shalt  }
0x4b: {  	_ =	shalt  }
0x4c: {  	_ =	shalt  }
0x4d: {  	_ =	shalt  }
0x4e: {  	_ =	shalt  }
0x4f: {  	_ =	shalt  }
0x50: {  	_ =	shalt  }
0x51: {  	_ =	shalt  }
0x52: {  	_ =	shalt  }
0x53: {  	_ =	shalt  }
0x54: {  	_ =	shalt  }
0x55: {  	_ =	shalt  }
0x56: {  	_ =	shalt  }
0x57: {  	_ =	shalt  }
0x58: {  	_ =	shalt  }
0x59: {  	_ =	shalt  }
0x5a: {  	_ =	shalt  }
0x5b: {  	_ =	shalt  }
0x5c: {  	_ =	shalt  }
0x5d: {  	_ =	shalt  }
0x5e: {  	_ =	shalt  }
0x5f: {  	_ =	shalt  }
0x60: {  	_ =	shalt  }
0x61: {  	_ =	shalt  }
0x62: {  	_ =	shalt  }
0x63: {  	_ =	shalt  }
0x64: {  	_ =	shalt  }
0x65: {  	_ =	shalt  }
0x66: {  	_ =	shalt  }
0x67: {  	_ =	shalt  }
0x68: {  	_ =	shalt  }
0x69: {  	_ =	shalt  }
0x6a: {  	_ =	shalt  }
0x6b: {  	_ =	shalt  }
0x6c: {  	_ =	shalt  }
0x6d: {  	_ =	shalt  }
0x6e: {  	_ =	shalt  }
0x6f: {  	_ =	shalt  }
0x70: {  	_ =	shalt  }
0x71: {  	_ =	shalt  }
0x72: {  	_ =	shalt  }
0x73: {  	_ =	shalt  }
0x74: {  	_ =	shalt  }
0x75: {  	_ =	shalt  }
0x76: {  	_ =	shalt  }
0x77: {  	_ =	shalt  }
0x78: {  	_ =	shalt  }
0x79: {  	_ =	shalt  }
0x7a: {  	_ =	shalt  }
0x7b: {  	_ =	shalt  }
0x7c: {  	_ =	shalt  }
0x7d: {  	_ =	shalt  }
0x7e: {  	_ =	shalt  }
0x7f: {  	_ =	shalt  }
0x80: {  	_ =	shalt  }
0x81: {  	_ =	shalt  }
0x82: {  	_ =	shalt  }
0x83: {  	_ =	shalt  }
0x84: {  	_ =	shalt  }
0x85: {  	_ =	shalt  }
0x86: {  	_ =	shalt  }
0x87: {  	_ =	shalt  }
.Lfunc_end0:
.L_simem_size_0:
called_computation_lowered:
.L_overlay_start_0:
0x88: {  	s2 =	sld [smem:$0x3FD9]  }
0x89: {  	s3 =	sld [smem:$0x3FFE];
	_ =	sdelay $0x1  }
0x8a: {  	s1 =	srdreg.scid  }
0x8b: {  	s0 =	sand.u32 $0x1, s1  }
0x8c: {  	s14 =	sshll.u32 s0, $0xA;
	s2 =	sadd.s32 s3, s2  }
0x8d: {  	s2 =	sadd.s32 s2, s14  }
0x8e: {  	[smem:$0x3FC5] =	sst s2  }
0x8f: {  	_ = 	snop  }
0x90: {  	s2 =	sld [smem:$0x3FD0];
	_ =	sdelay $0x2  }
0x91: {  	s15 =	simm.s32 $0xA;
	s4 =	simm.s32 $0x10  }
0x92: {  	[smem:s4], [sflag:s15] =	dma.local [hbm:s2], $0x1  }
0x93: {  	_ =	swait.eq [sflag:s15], $0x1  }
0x94: {  	[sflag:s15] =	ssyncset.done $0x0  }
0x95: {  	s16 =	sld [smem:$0x10];
	[sflag:s15] =	ssyncadd.s32 $0xFFFFFFFF  }
0x96: {  	s17 =	sld [smem:$0x11];
	(tm) =	ssettm $0x1  }
0x97: {  	s18 =	sld [smem:$0x3FFB];
	_ =	sdelay $0x3  }
0x98: {  	_ =	strace s18  }
0x99: {  	s4 =	sld [smem:$0x3FFC];
	_ =	sdelay $0x3  }
0x9a: {  	_ =	strace s4  }
0x9b: {  	s4 =	sld [smem:$0x3FFD];
	_ =	sdelay $0x3  }
0x9c: {  	_ =	strace s4  }
0x9d: {  	_ =	strace $0x8FFFFFFF  }
0x9e: {  	s19 =	sld [smem:$0x3FDB];
	_ =	sdelay $0x1  }
0x9f: {  	s5 =	simm.s32 $_scs_section_size  }
0xa0: {  	s6 =	simm.s32 $_size__tile_overlayer_lowered;
	s7 =	simm.s32 $_tile_overlayer_lowered  }
0xa1: {  	s22 =	simm.s32 $0x1BFF;
	s21 =	sshll.u32 s7, $0x1;
	s4 =	sadd.s32 s5, s19  }
0xa2: {  	s8 =	simm.s32 $0x0;
	s20 =	sshll.u32 s6, $0x1;
	s6 =	sadd.s32 s21, s4  }
0xa3: {  	[timem:s8], [sflag:s22] =	dma.local [hbm:s6], s20  }
0xa4: {  	_ =	swait.ge [sflag:s22], s20  }
0xa5: {  	s5 =	ssub.s32 $0x0, s20;
	[sflag:s22] =	ssyncset.done $0x0  }
0xa6: {  	[sflag:s22] =	ssyncadd.s32 s5;
	_ =	sdelay $0x1  }
0xa7: {  	s23 =	simm.s32 $0x1B8B  }
0xa8: {  	_ =	swait.ge [sflag:s23], $0x1  }
0xa9: {  	[sflag:s23] =	ssyncset.done $0x0  }
0xaa: {  	s25 =	simm.s32 $0x1B8E;
	s24 =	sld [smem:$0x3FFE];
	[sflag:s23] =	ssyncadd.s32 $0xFFFFFFFF  }
0xab: {  	s26 =	simm.s32 $execute0_lowered;
	[smem:$0x3FD2] =	sst s25  }
0xac: {  	s6 =	sshll.u32 s26, $0x1;
	_ =	strace $0x80000046;
	[dreg:$0x1] =	wrdreg $0xFFFFFFFF  }
0xad: {  	s28 =	simm.s32 $_size_execute0_lowered;
	s4 =	sadd.s32 s4, s6;
	[dreg:$0x0] =	wrdreg $0x0  }
0xae: {  	s6 =	sshll.u32 s28, $0x1;
	[dreg:$0x2] =	wrdreg s4  }
0xaf: {  	[dreg:$0x3] =	wrdreg s6  }
0xb0: {  	[dreg:$0x4] =	wrdreg $0xC0  }
0xb1: {  	_ =	task [dreg:s8], $0x5FFFF  }
0xb2: {  	[dreg:$0x1] =	wrdreg $0xFFFFFFFF  }
0xb3: {  	[dreg:$0x0] =	wrdreg $0x60  }
0xb4: {  	[dreg:$0x2] =	wrdreg s24  }
0xb5: {  	[dreg:$0x3] =	wrdreg s16  }
0xb6: {  	[dreg:$0x4] =	wrdreg s17  }
0xb7: {  	[dreg:$0x5] =	wrdreg $0x9  }
0xb8: {  	_ =	task.clear_ibuf [dreg:s8], $0x6FFFF;
	_ =	strace $0x90000046  }
0xb9: {  	s29 =	simm.s32 $0x9;
	_ =	strace $0x80000048  }
0xba: {  	_ =	swait.ge [sflag:s29], $0x1  }
0xbb: {  	[sflag:s29] =	ssyncadd.s32 $0xFFFFFFFF  }
0xbc: {  	_ =	strace $0x90000048  }
0xbd: {  	_ =	sfence  }
0xbe: {  	s30 =	sld [smem:$0x0];
	_ =	sdelay $0x2  }
0xbf: {  	s31 =	sshll.u32 s1, $0xD;
	s1 =	sshrl.u32 s1, $0x2  }
0xc0: {  	s3 =	sand.u32 $0x4000, s31;
	s1 =	sadd.s32 s1, s30  }
0xc1: {  	s0 =	sor.u32 s3, s0;
	s1 =	sshll.u32 s1, $0x11  }
0xc2: {  	s0 =	sor.u32 s1, s0  }
0xc3: {  	s0 =	sadd.s32 $0x8F2B, s0  }
0xc4: {  	[sflag:s0] =	ssyncadd.remote.s32 $0x1  }
0xc5: {  	_ =	sfence.sel $0xFFFF  }
0xc6: {  	[dreg:$0x0] =	wrdreg $0xFFFFFFFF;
	(pc) =	sbr.abs _section_cstart, $3  }
0xc7: {  	[dreg:$0x1] =	wrdreg $0xFFFFFFFF  }
0xc8: {  	_ =	task.clear_ibuf [dreg:s8], $0x2FFFF;
	_ =	strace $0x9FFFFFFF  }
0xc9: {  	(tm) =	ssettm $0x7FFFFFFF  }
tec
execute0_lowered:
.L_overlay_start_1:
0x0: {  	(tag) =	ssettag $0x1  }
0x1: {  	s1 =	rddreg [dreg:$0x0]  }
0x2: {  	s3 =	rddreg [dreg:$0x1];
	s2 =	srdreg.scid  }
0x3: {  	s0 =	stileid.u32;
	s6 =	rddreg [dreg:$0x2]  }
0x4: {  	s10 =	simm.s32 $0x200;
	s11 =	simm.s32 $0x300;
	s12 =	simm.s32 $0x400  }
0x5: {  	s13 =	simm.s32 $0x80;
	s14 =	simm.s32 $0x800;
	s15 =	simm.s32 $0x1000  }
0x6: {  	s16 =	simm.s32 $0x880;
	s17 =	simm.s32 $0x2000;
	s18 =	simm.s32 $0x900  }
0x7: {  	s19 =	simm.s32 $0x3000;
	s20 =	simm.s32 $0x980;
	s28 =	simm.s32 $0x7000  }
0x8: {  	s29 =	simm.s32 $0xB80;
	s30 =	simm.s32 $0x8000;
	s31 =	simm.s32 $0xC00  }
0x9: {  	s5 =	sand.u32 $0x1, s2;
	s4 =	sshll.u32 s0, $0x1;
	s2 =	simm.s32 $0x0  }
0xa: {  	s8 =	sadd.s32 $0xC00, s1;
	s7 =	sor.u32 s5, s4;
	[smem:$0x7FF] =	sst s2  }
0xb: {  	s5 =	ssub.s32 $0x2, s5;
	s4 =	sshll.u32 s7, $0x5;
	_ =	strace $0x80000047  }
0xc: {  	[dreg:$0x4] =	wrdreg s8;
	s9 =	sshll.u32 s7, $0x7;
	s25 =	sshrl.u32 s5, $0x1  }
0xd: {  	s7 =	sshll.u32 s7, $0xC;
	s8 =	simm.s32 $0x2;
	s3 =	sadd.s32 s3, s4  }
0xe: {  	s4 =	sadd.s32 $0x1E00, s1;
	s1 =	sadd.s32 s9, s1;
	s9 =	ssub.s32 s5, s25  }
0xf: {  	s6 =	sadd.s32 s6, s7;
	s25 =	simm.s32 $0x6000;
	s21 =	sadd.s32 $0x400, s3  }
0x10: {  	s22 =	sadd.s32 $0x800, s3;
	s23 =	sadd.s32 $0xC00, s3;
	[dreg:$0x5] =	wrdreg s21  }
0x11: {  	s24 =	sadd.s32 $0xE00, s1;
	s26 =	sadd.s32 $0xAE00, s1;
	[dreg:$0x6] =	wrdreg s22  }
0x12: {  	s5 =	sadd.s32 $0x9E00, s1;
	s7 =	smax.u32 s9, $0x1;
	[dreg:$0x7] =	wrdreg s23  }
0x13: {  	s9 =	simm.s32 $0x100;
	s1 =	simm.s32 $0x1;
	[dreg:$0x8] =	wrdreg s24  }
0x14: {  	[dreg:$0x9] =	wrdreg s26;
	s21 =	simm.s32 $0x4000;
	s22 =	simm.s32 $0xA00  }
0x15: {  	s23 =	simm.s32 $0x5000;
	s24 =	simm.s32 $0xA80;
	s26 =	simm.s32 $0xB00  }
.LBB2_1:
0x16: {  	[tilespmem:s2], [sflag:$0x2] =	stream.linear.gather [hbm4b:s3+s2], $0x100, $0x38;
	[tilespmem:$0x9000] =	vst v63  }
0x17: {  	_ =	swait.ge [sflag:s8], $0x100  }
0x18: {  	[sflag:s8] =	ssyncset.done $0x0  }
0x19: {  	s0 =	rddreg [dreg:$0x5];
	[sflag:s8] =	ssyncadd.s32 $0xFFFFFF00  }
0x1a: {  	[tilespmem:s9], [sflag:$0x2] =	stream.linear.gather [hbm4b:s0+s2], $0x100, $0x38;
	[tilespmem:$0x9000] =	vst v63  }
0x1b: {  	_ =	swait.ge [sflag:s8], $0x100  }
0x1c: {  	[sflag:s8] =	ssyncset.done $0x0  }
0x1d: {  	s0 =	rddreg [dreg:$0x6];
	[sflag:s8] =	ssyncadd.s32 $0xFFFFFF00  }
0x1e: {  	[tilespmem:s10], [sflag:$0x2] =	stream.linear.gather [hbm4b:s0+s2], $0x100, $0x38;
	[tilespmem:$0x9000] =	vst v63  }
0x1f: {  	_ =	swait.ge [sflag:s8], $0x100  }
0x20: {  	[sflag:s8] =	ssyncset.done $0x0  }
0x21: {  	s0 =	rddreg [dreg:$0x7];
	[sflag:s8] =	ssyncadd.s32 $0xFFFFFF00  }
0x22: {  	[tilespmem:s11], [sflag:$0x2] =	stream.linear.gather [hbm4b:s0+s2], $0x100, $0x38;
	[tilespmem:$0x9000] =	vst v63  }
0x23: {  	_ =	swait.ge [sflag:s8], $0x100  }
0x24: {  	[sflag:s8] =	ssyncset.done $0x0  }
0x25: {  	s0 =	rddreg [dreg:$0x4];
	[sflag:s8] =	ssyncadd.s32 $0xFFFFFF00  }
0x26: {  	[tilespmem:s12], [sflag:$0x2] =	stream.linear.gather [hbm4b:s0+s2], $0x400, $0x38;
	[tilespmem:$0x9000] =	vst v63  }
0x27: {  	_ =	swait.ge [sflag:s8], $0x400  }
0x28: {  	[sflag:s8] =	ssyncset.done $0x0  }
0x29: {  	[sflag:s8] =	ssyncadd.s32 $0xFFFFFC00  }
0x2a: {  	v0 =	vld [tilespmem:$0x400];
	_ =	sdelay $0x5  }
0x2b: {  	v1 =	vld [tilespmem:$0x410];
	_ =	sdelay $0x1  }
0x2c: {  	v0 =	vld.idx.msk [tilespmem:v0+s2+$0x0], $0xffff;
	_ =	sdelay $0x3  }
0x2d: {  	v2 =	vld [tilespmem:$0x420]  }
0x2e: {  	[tilespmem:$0x800] =	vst v0  }
0x2f: {  	v0 =	vld.idx.msk [tilespmem:v1+s2+$0x0], $0xffff;
	_ =	sdelay $0x3  }
0x30: {  	v63 =	vld [tilespmem:$0x430]  }
0x31: {  	[tilespmem:$0x810] =	vst v0  }
0x32: {  	v0 =	vld.idx.msk [tilespmem:v2+s2+$0x0], $0xffff;
	_ =	sdelay $0x3  }
0x33: {  	v4 =	vld [tilespmem:$0x440]  }
0x34: {  	[tilespmem:$0x820] =	vst v0  }
0x35: {  	v0 =	vld.idx.msk [tilespmem:v63+s2+$0x0], $0xffff;
	_ =	sdelay $0x3  }
0x36: {  	v5 =	vld [tilespmem:$0x450]  }
0x37: {  	[tilespmem:$0x830] =	vst v0  }
0x38: {  	v0 =	vld.idx.msk [tilespmem:v4+s2+$0x0], $0xffff;
	_ =	sdelay $0x3  }
0x39: {  	v6 =	vld [tilespmem:$0x460]  }
0x3a: {  	[tilespmem:$0x840] =	vst v0  }
0x3b: {  	v0 =	vld.idx.msk [tilespmem:v5+s2+$0x0], $0xffff;
	_ =	sdelay $0x3  }
0x3c: {  	v7 =	vld [tilespmem:$0x470]  }
0x3d: {  	[tilespmem:$0x850] =	vst v0  }
0x3e: {  	v0 =	vld.idx.msk [tilespmem:v6+s2+$0x0], $0xffff;
	_ =	sdelay $0x3  }
0x3f: {  	v8 =	vld [tilespmem:$0x480]  }
0x40: {  	[tilespmem:$0x860] =	vst v0  }
0x41: {  	v0 =	vld.idx.msk [tilespmem:v7+s2+$0x0], $0xffff;
	_ =	sdelay $0x3  }
0x42: {  	v9 =	vld [tilespmem:$0x490]  }
0x43: {  	[tilespmem:$0x870] =	vst v0  }
0x44: {  	v0 =	vld.idx.msk [tilespmem:v8+s2+$0x0], $0xffff;
	_ =	sdelay $0x3  }
0x45: {  	v10 =	vld [tilespmem:$0x4A0]  }
0x46: {  	[tilespmem:$0x880] =	vst v0  }
0x47: {  	v0 =	vld.idx.msk [tilespmem:v9+s2+$0x0], $0xffff;
	_ =	sdelay $0x3  }
0x48: {  	v11 =	vld [tilespmem:$0x4B0]  }
0x49: {  	[tilespmem:$0x890] =	vst v0  }
0x4a: {  	v0 =	vld.idx.msk [tilespmem:v10+s2+$0x0], $0xffff;
	_ =	sdelay $0x3  }
0x4b: {  	v12 =	vld [tilespmem:$0x4C0]  }
0x4c: {  	[tilespmem:$0x8A0] =	vst v0  }
0x4d: {  	v0 =	vld.idx.msk [tilespmem:v11+s2+$0x0], $0xffff;
	_ =	sdelay $0x3  }
0x4e: {  	v13 =	vld [tilespmem:$0x4D0]  }
0x4f: {  	[tilespmem:$0x8B0] =	vst v0  }
0x50: {  	v0 =	vld.idx.msk [tilespmem:v12+s2+$0x0], $0xffff;
	_ =	sdelay $0x3  }
0x51: {  	v14 =	vld [tilespmem:$0x4E0]  }
0x52: {  	[tilespmem:$0x8C0] =	vst v0  }
0x53: {  	v0 =	vld.idx.msk [tilespmem:v13+s2+$0x0], $0xffff;
	_ =	sdelay $0x3  }
0x54: {  	v15 =	vld [tilespmem:$0x4F0]  }
0x55: {  	[tilespmem:$0x8D0] =	vst v0  }
0x56: {  	v0 =	vld.idx.msk [tilespmem:v14+s2+$0x0], $0xffff;
	_ =	sdelay $0x3  }
0x57: {  	v16 =	vld [tilespmem:$0x500]  }
0x58: {  	[tilespmem:$0x8E0] =	vst v0  }
0x59: {  	v0 =	vld.idx.msk [tilespmem:v15+s2+$0x0], $0xffff;
	_ =	sdelay $0x3  }
0x5a: {  	v17 =	vld [tilespmem:$0x510]  }
0x5b: {  	[tilespmem:$0x8F0] =	vst v0  }
0x5c: {  	v0 =	vld.idx.msk [tilespmem:v16+s2+$0x0], $0xffff;
	_ =	sdelay $0x3  }
0x5d: {  	v18 =	vld [tilespmem:$0x520]  }
0x5e: {  	[tilespmem:$0x900] =	vst v0  }
0x5f: {  	v0 =	vld.idx.msk [tilespmem:v17+s2+$0x0], $0xffff;
	_ =	sdelay $0x3  }
0x60: {  	v19 =	vld [tilespmem:$0x530]  }
0x61: {  	[tilespmem:$0x910] =	vst v0  }
0x62: {  	v0 =	vld.idx.msk [tilespmem:v18+s2+$0x0], $0xffff;
	_ =	sdelay $0x3  }
0x63: {  	v20 =	vld [tilespmem:$0x540]  }
0x64: {  	[tilespmem:$0x920] =	vst v0  }
0x65: {  	v0 =	vld.idx.msk [tilespmem:v19+s2+$0x0], $0xffff;
	_ =	sdelay $0x3  }
0x66: {  	v21 =	vld [tilespmem:$0x550]  }
0x67: {  	[tilespmem:$0x930] =	vst v0  }
0x68: {  	v0 =	vld.idx.msk [tilespmem:v20+s2+$0x0], $0xffff;
	_ =	sdelay $0x3  }
0x69: {  	v22 =	vld [tilespmem:$0x560]  }
0x6a: {  	[tilespmem:$0x940] =	vst v0  }
0x6b: {  	v0 =	vld.idx.msk [tilespmem:v21+s2+$0x0], $0xffff;
	_ =	sdelay $0x3  }
0x6c: {  	v23 =	vld [tilespmem:$0x570]  }
0x6d: {  	[tilespmem:$0x950] =	vst v0  }
0x6e: {  	v0 =	vld.idx.msk [tilespmem:v22+s2+$0x0], $0xffff;
	_ =	sdelay $0x3  }
0x6f: {  	v24 =	vld [tilespmem:$0x580]  }
0x70: {  	[tilespmem:$0x960] =	vst v0  }
0x71: {  	v0 =	vld.idx.msk [tilespmem:v23+s2+$0x0], $0xffff;
	_ =	sdelay $0x3  }
0x72: {  	v25 =	vld [tilespmem:$0x590]  }
0x73: {  	[tilespmem:$0x970] =	vst v0  }
0x74: {  	v0 =	vld.idx.msk [tilespmem:v24+s2+$0x0], $0xffff;
	_ =	sdelay $0x3  }
0x75: {  	v26 =	vld [tilespmem:$0x5A0]  }
0x76: {  	[tilespmem:$0x980] =	vst v0  }
0x77: {  	v0 =	vld.idx.msk [tilespmem:v25+s2+$0x0], $0xffff;
	_ =	sdelay $0x3  }
0x78: {  	v27 =	vld [tilespmem:$0x5B0]  }
0x79: {  	[tilespmem:$0x990] =	vst v0  }
0x7a: {  	v0 =	vld.idx.msk [tilespmem:v26+s2+$0x0], $0xffff;
	_ =	sdelay $0x3  }
0x7b: {  	v28 =	vld [tilespmem:$0x5C0]  }
0x7c: {  	[tilespmem:$0x9A0] =	vst v0  }
0x7d: {  	v0 =	vld.idx.msk [tilespmem:v27+s2+$0x0], $0xffff;
	_ =	sdelay $0x3  }
0x7e: {  	v29 =	vld [tilespmem:$0x5D0]  }
0x7f: {  	[tilespmem:$0x9B0] =	vst v0  }
0x80: {  	v0 =	vld.idx.msk [tilespmem:v28+s2+$0x0], $0xffff;
	_ =	sdelay $0x3  }
0x81: {  	v30 =	vld [tilespmem:$0x5E0]  }
0x82: {  	[tilespmem:$0x9C0] =	vst v0  }
0x83: {  	v0 =	vld.idx.msk [tilespmem:v29+s2+$0x0], $0xffff;
	_ =	sdelay $0x3  }
0x84: {  	v31 =	vld [tilespmem:$0x5F0]  }
0x85: {  	[tilespmem:$0x9D0] =	vst v0  }
0x86: {  	v0 =	vld.idx.msk [tilespmem:v30+s2+$0x0], $0xffff;
	_ =	sdelay $0x3  }
0x87: {  	v32 =	vld [tilespmem:$0x600]  }
0x88: {  	[tilespmem:$0x9E0] =	vst v0  }
0x89: {  	v0 =	vld.idx.msk [tilespmem:v31+s2+$0x0], $0xffff;
	_ =	sdelay $0x3  }
0x8a: {  	v33 =	vld [tilespmem:$0x610]  }
0x8b: {  	[tilespmem:$0x9F0] =	vst v0  }
0x8c: {  	v0 =	vld.idx.msk [tilespmem:v32+s2+$0x0], $0xffff;
	_ =	sdelay $0x3  }
0x8d: {  	v34 =	vld [tilespmem:$0x620]  }
0x8e: {  	[tilespmem:$0xA00] =	vst v0  }
0x8f: {  	v0 =	vld.idx.msk [tilespmem:v33+s2+$0x0], $0xffff;
	_ =	sdelay $0x3  }
0x90: {  	v35 =	vld [tilespmem:$0x630]  }
0x91: {  	[tilespmem:$0xA10] =	vst v0  }
0x92: {  	v0 =	vld.idx.msk [tilespmem:v34+s2+$0x0], $0xffff;
	_ =	sdelay $0x3  }
0x93: {  	v36 =	vld [tilespmem:$0x640]  }
0x94: {  	[tilespmem:$0xA20] =	vst v0  }
0x95: {  	v0 =	vld.idx.msk [tilespmem:v35+s2+$0x0], $0xffff;
	_ =	sdelay $0x3  }
0x96: {  	v37 =	vld [tilespmem:$0x650]  }
0x97: {  	[tilespmem:$0xA30] =	vst v0  }
0x98: {  	v0 =	vld.idx.msk [tilespmem:v36+s2+$0x0], $0xffff;
	_ =	sdelay $0x3  }
0x99: {  	v38 =	vld [tilespmem:$0x660]  }
0x9a: {  	[tilespmem:$0xA40] =	vst v0  }
0x9b: {  	v0 =	vld.idx.msk [tilespmem:v37+s2+$0x0], $0xffff;
	_ =	sdelay $0x3  }
0x9c: {  	v39 =	vld [tilespmem:$0x670]  }
0x9d: {  	[tilespmem:$0xA50] =	vst v0  }
0x9e: {  	v0 =	vld.idx.msk [tilespmem:v38+s2+$0x0], $0xffff;
	_ =	sdelay $0x3  }
0x9f: {  	v40 =	vld [tilespmem:$0x680]  }
0xa0: {  	[tilespmem:$0xA60] =	vst v0  }
0xa1: {  	v0 =	vld.idx.msk [tilespmem:v39+s2+$0x0], $0xffff;
	_ =	sdelay $0x3  }
0xa2: {  	v41 =	vld [tilespmem:$0x690]  }
0xa3: {  	[tilespmem:$0xA70] =	vst v0  }
0xa4: {  	v0 =	vld.idx.msk [tilespmem:v40+s2+$0x0], $0xffff;
	_ =	sdelay $0x3  }
0xa5: {  	v42 =	vld [tilespmem:$0x6A0]  }
0xa6: {  	[tilespmem:$0xA80] =	vst v0  }
0xa7: {  	v0 =	vld.idx.msk [tilespmem:v41+s2+$0x0], $0xffff;
	_ =	sdelay $0x3  }
0xa8: {  	v43 =	vld [tilespmem:$0x6B0]  }
0xa9: {  	[tilespmem:$0xA90] =	vst v0  }
0xaa: {  	v0 =	vld.idx.msk [tilespmem:v42+s2+$0x0], $0xffff;
	_ =	sdelay $0x3  }
0xab: {  	v44 =	vld [tilespmem:$0x6C0]  }
0xac: {  	[tilespmem:$0xAA0] =	vst v0  }
0xad: {  	v0 =	vld.idx.msk [tilespmem:v43+s2+$0x0], $0xffff;
	_ =	sdelay $0x3  }
0xae: {  	v45 =	vld [tilespmem:$0x6D0]  }
0xaf: {  	[tilespmem:$0xAB0] =	vst v0  }
0xb0: {  	v0 =	vld.idx.msk [tilespmem:v44+s2+$0x0], $0xffff;
	_ =	sdelay $0x3  }
0xb1: {  	v46 =	vld [tilespmem:$0x6E0]  }
0xb2: {  	[tilespmem:$0xAC0] =	vst v0  }
0xb3: {  	v0 =	vld.idx.msk [tilespmem:v45+s2+$0x0], $0xffff;
	_ =	sdelay $0x3  }
0xb4: {  	v47 =	vld [tilespmem:$0x6F0]  }
0xb5: {  	[tilespmem:$0xAD0] =	vst v0  }
0xb6: {  	v0 =	vld.idx.msk [tilespmem:v46+s2+$0x0], $0xffff;
	_ =	sdelay $0x3  }
0xb7: {  	v48 =	vld [tilespmem:$0x700]  }
0xb8: {  	[tilespmem:$0xAE0] =	vst v0  }
0xb9: {  	v0 =	vld.idx.msk [tilespmem:v47+s2+$0x0], $0xffff;
	_ =	sdelay $0x3  }
0xba: {  	v49 =	vld [tilespmem:$0x710]  }
0xbb: {  	[tilespmem:$0xAF0] =	vst v0  }
0xbc: {  	v0 =	vld.idx.msk [tilespmem:v48+s2+$0x0], $0xffff;
	_ =	sdelay $0x3  }
0xbd: {  	v50 =	vld [tilespmem:$0x720]  }
0xbe: {  	[tilespmem:$0xB00] =	vst v0  }
0xbf: {  	v0 =	vld.idx.msk [tilespmem:v49+s2+$0x0], $0xffff;
	_ =	sdelay $0x3  }
0xc0: {  	v51 =	vld [tilespmem:$0x730]  }
0xc1: {  	[tilespmem:$0xB10] =	vst v0  }
0xc2: {  	v0 =	vld.idx.msk [tilespmem:v50+s2+$0x0], $0xffff;
	_ =	sdelay $0x3  }
0xc3: {  	v52 =	vld [tilespmem:$0x740]  }
0xc4: {  	[tilespmem:$0xB20] =	vst v0  }
0xc5: {  	v0 =	vld.idx.msk [tilespmem:v51+s2+$0x0], $0xffff;
	_ =	sdelay $0x3  }
0xc6: {  	v53 =	vld [tilespmem:$0x750]  }
0xc7: {  	[tilespmem:$0xB30] =	vst v0  }
0xc8: {  	v0 =	vld.idx.msk [tilespmem:v52+s2+$0x0], $0xffff;
	_ =	sdelay $0x3  }
0xc9: {  	v54 =	vld [tilespmem:$0x760]  }
0xca: {  	[tilespmem:$0xB40] =	vst v0  }
0xcb: {  	v0 =	vld.idx.msk [tilespmem:v53+s2+$0x0], $0xffff;
	_ =	sdelay $0x3  }
0xcc: {  	v55 =	vld [tilespmem:$0x770]  }
0xcd: {  	[tilespmem:$0xB50] =	vst v0  }
0xce: {  	v0 =	vld.idx.msk [tilespmem:v54+s2+$0x0], $0xffff;
	_ =	sdelay $0x3  }
0xcf: {  	v56 =	vld [tilespmem:$0x780]  }
0xd0: {  	[tilespmem:$0xB60] =	vst v0  }
0xd1: {  	v0 =	vld.idx.msk [tilespmem:v55+s2+$0x0], $0xffff;
	_ =	sdelay $0x3  }
0xd2: {  	v57 =	vld [tilespmem:$0x790]  }
0xd3: {  	[tilespmem:$0xB70] =	vst v0  }
0xd4: {  	v0 =	vld.idx.msk [tilespmem:v56+s2+$0x0], $0xffff;
	_ =	sdelay $0x3  }
0xd5: {  	v58 =	vld [tilespmem:$0x7A0]  }
0xd6: {  	[tilespmem:$0xB80] =	vst v0  }
0xd7: {  	v0 =	vld.idx.msk [tilespmem:v57+s2+$0x0], $0xffff;
	_ =	sdelay $0x3  }
0xd8: {  	v59 =	vld [tilespmem:$0x7B0]  }
0xd9: {  	[tilespmem:$0xB90] =	vst v0  }
0xda: {  	v0 =	vld.idx.msk [tilespmem:v58+s2+$0x0], $0xffff;
	_ =	sdelay $0x3  }
0xdb: {  	v60 =	vld [tilespmem:$0x7C0]  }
0xdc: {  	[tilespmem:$0xBA0] =	vst v0  }
0xdd: {  	v0 =	vld.idx.msk [tilespmem:v59+s2+$0x0], $0xffff;
	_ =	sdelay $0x3  }
0xde: {  	v61 =	vld [tilespmem:$0x7D0]  }
0xdf: {  	[tilespmem:$0xBB0] =	vst v0  }
0xe0: {  	v0 =	vld.idx.msk [tilespmem:v60+s2+$0x0], $0xffff;
	_ =	sdelay $0x3  }
0xe1: {  	v62 =	vld [tilespmem:$0x7E0]  }
0xe2: {  	[tilespmem:$0xBC0] =	vst v0  }
0xe3: {  	v0 =	vld.idx.msk [tilespmem:v61+s2+$0x0], $0xffff;
	_ =	sdelay $0x3  }
0xe4: {  	v63 =	vld [tilespmem:$0x7F0]  }
0xe5: {  	[tilespmem:$0xBD0] =	vst v0  }
0xe6: {  	v0 =	vld.idx.msk [tilespmem:v62+s2+$0x0], $0xffff;
	_ =	sdelay $0x4  }
0xe7: {  	[tilespmem:$0xBE0] =	vst v0  }
0xe8: {  	v0 =	vld.idx.msk [tilespmem:v63+s2+$0x0], $0xffff;
	_ =	sdelay $0x4  }
0xe9: {  	[tilespmem:$0xBF0] =	vst v0  }
0xea: {  	[tilespmem:s15], [sflag:$0x1] =	stream.indirect.gather [hbm4b:s4+s13], $0x20, s14, s13, $0xb8;
	[tilespmem:$0x9000] =	vst v63  }
0xeb: {  	_ = 	snop  }
0xec: {  	[tilespmem:s17], [sflag:$0x1] =	stream.indirect.gather [hbm4b:s4+s13], $0x20, s16, s13, $0xb8;
	[tilespmem:$0x9000] =	vst v63  }
0xed: {  	_ = 	snop  }
0xee: {  	[tilespmem:s19], [sflag:$0x1] =	stream.indirect.gather [hbm4b:s4+s13], $0x20, s18, s13, $0xb8;
	[tilespmem:$0x9000] =	vst v63  }
0xef: {  	_ = 	snop  }
0xf0: {  	[tilespmem:s21], [sflag:$0x1] =	stream.indirect.gather [hbm4b:s4+s13], $0x20, s20, s13, $0xb8;
	[tilespmem:$0x9000] =	vst v63  }
0xf1: {  	_ = 	snop  }
0xf2: {  	[tilespmem:s23], [sflag:$0x1] =	stream.indirect.gather [hbm4b:s4+s13], $0x20, s22, s13, $0xb8;
	[tilespmem:$0x9000] =	vst v63  }
0xf3: {  	_ = 	snop  }
0xf4: {  	[tilespmem:s25], [sflag:$0x1] =	stream.indirect.gather [hbm4b:s4+s13], $0x20, s24, s13, $0xb8;
	[tilespmem:$0x9000] =	vst v63  }
0xf5: {  	_ = 	snop  }
0xf6: {  	[tilespmem:s28], [sflag:$0x1] =	stream.indirect.gather [hbm4b:s4+s13], $0x20, s26, s13, $0xb8;
	[tilespmem:$0x9000] =	vst v63  }
0xf7: {  	_ = 	snop  }
0xf8: {  	[tilespmem:s30], [sflag:$0x1] =	stream.indirect.gather [hbm4b:s4+s13], $0x20, s29, s13, $0xb8;
	[tilespmem:$0x9000] =	vst v63  }
0xf9: {  	s0 =	rddreg [dreg:$0x8]  }
0xfa: {  	[tilespmem:s31], [sflag:$0x2] =	stream.linear.gather [hbm4b:s0+s2], $0x400, $0x38;
	[tilespmem:$0x9000] =	vst v63  }
0xfb: {  	_ =	swait.ge [sflag:s8], $0x400  }
0xfc: {  	[sflag:s8] =	ssyncset.done $0x0  }
0xfd: {  	s0 =	rddreg [dreg:$0x9];
	[sflag:s8] =	ssyncadd.s32 $0xFFFFFC00  }
0xfe: {  	[hbm4b:s0+s2] =	stream.linear.scatter [tilespmem:s31], [sflag:$0x2], $0x400, $0x38;
	[tilespmem:$0x9000] =	vst v63  }
0xff: {  	_ =	swait.ge [sflag:s8], $0x400  }
0x100: {  	[sflag:s8] =	ssyncset.done $0x0  }
0x101: {  	[sflag:s8] =	ssyncadd.s32 $0xFFFFFC00  }
0x102: {  	[hbm4b:s5+s2] =	stream.linear.scatter [tilespmem:s14], [sflag:$0x2], $0x400, $0x38;
	[tilespmem:$0x9000] =	vst v63  }
0x103: {  	_ =	swait.ge [sflag:s8], $0x400  }
0x104: {  	[sflag:s8] =	ssyncset.done $0x0  }
0x105: {  	[sflag:s8] =	ssyncadd.s32 $0xFFFFFC00  }
0x106: {  	_ =	swait.ge [sflag:s1], $0x1000  }
0x107: {  	[sflag:s1] =	ssyncset.done $0x0  }
0x108: {  	[sflag:s1] =	ssyncadd.s32 $0xFFFFF000  }
0x109: {  	_ =	swait.ge [sflag:s1], $0x1000  }
0x10a: {  	[sflag:s1] =	ssyncset.done $0x0  }
0x10b: {  	[sflag:s1] =	ssyncadd.s32 $0xFFFFF000  }
0x10c: {  	_ =	swait.ge [sflag:s1], $0x1000  }
0x10d: {  	[sflag:s1] =	ssyncset.done $0x0  }
0x10e: {  	[sflag:s1] =	ssyncadd.s32 $0xFFFFF000  }
0x10f: {  	_ =	swait.ge [sflag:s1], $0x1000  }
0x110: {  	[sflag:s1] =	ssyncset.done $0x0  }
0x111: {  	[sflag:s1] =	ssyncadd.s32 $0xFFFFF000  }
0x112: {  	_ =	swait.ge [sflag:s1], $0x1000  }
0x113: {  	[sflag:s1] =	ssyncset.done $0x0  }
0x114: {  	[sflag:s1] =	ssyncadd.s32 $0xFFFFF000  }
0x115: {  	_ =	swait.ge [sflag:s1], $0x1000  }
0x116: {  	[sflag:s1] =	ssyncset.done $0x0  }
0x117: {  	[sflag:s1] =	ssyncadd.s32 $0xFFFFF000  }
0x118: {  	_ =	swait.ge [sflag:s1], $0x1000  }
0x119: {  	[sflag:s1] =	ssyncset.done $0x0  }
0x11a: {  	[sflag:s1] =	ssyncadd.s32 $0xFFFFF000  }
0x11b: {  	_ =	swait.ge [sflag:s1], $0x1000  }
0x11c: {  	p0 =	sne.s32 s7, $0x1;
	[sflag:s1] =	ssyncset.done $0x0  }
.Ltmp0:
0x11d: {  	[sflag:s1] =	ssyncadd.s32 $0xFFFFF000;
	(pc) =	sbr.rel @p0 .LBB2_1-.Ltmp0, $4  }
0x11e: {  	[hbm4b:s6+s2] =	stream.linear.scatter [tilespmem:s15], [sflag:$0x2], $0x8000, $0x38;
	[tilespmem:$0x9000] =	vst v63  }
0x11f: {  	_ =	swait.ge [sflag:s8], $0x8000  }
0x120: {  	[sflag:s8] =	ssyncset.done $0x0  }
0x121: {  	s7 =	sadd.s32 $0xFFFFFFFF, s7;
	[sflag:s8] =	ssyncadd.s32 $0xFFFF8000  }
0x122: {  	_ =	sfence.sel $0x180000  }
0x123: {  	[bflag:$0x0] =	sbarrier.arrive $0xFFFF  }
0x124: {  	_ =	strace $0x90000047  }
0x125: {  	s0 =	stileid.u32;
	[bflag:$0x2] =	sbarrier.arrive $0xFFFF  }
0x126: {  	p0 =	sne.s32 s0, $0x0;
	s0 =	rddreg [dreg:$0x3]  }
0x127: {  	s0 =	sadd.s32 @!p0 $0x100000, s0  }
0x128: {  	[sflag:s0] =	ssyncadd.tile.s32 @!p0 $0x1;
	_ =	shalt  }
.Lfunc_end2:
_tile_overlayer_lowered:
.L_overlay_start_2:
0x129: {  	(tag) =	ssettag $0x2  }
0x12a: {  	s0 =	rddreg [dreg:$0x0];
	s2 =	stileid.u32  }
0x12b: {  	s1 =	rddreg [dreg:$0x1];
	p0 =	sne.s32 s2, $0x0  }
0x12c: {  	s3 =	rddreg [dreg:$0x2];
	[bflag:$0x3] =	sbarrier.arrive $0xFFFF;
	s2 =	simm.s32 @!p0 $0x1C02  }
0x12d: {  	[timem:s3], [sflag:s2] =	dma.local @!p0 [hbm:s0], s1  }
0x12e: {  	s0 =	simm.s32 @!p0 $0x2  }
0x12f: {  	_ =	swait.ge @!p0 [sflag:s0], s1  }
0x130: {  	s1 =	ssub.s32 @!p0 $0x0, s1;
	[sflag:s0] =	ssyncset.done @!p0 $0x0  }
0x131: {  	[sflag:s0] =	ssyncadd.s32 @!p0 s1  }
0x132: {  	[bflag:$0x3] =	sbarrier.arrive $0xFFFF  }
0x133: {  	_ =	shalt  }

</sc_bundles>
